<compile_context>
chip_gen: v7x
topology: tpu7x:2x2x1
jax: 0.10.2.dev20260603
libtpu: 0.0.44.dev20260713+nightly
codegen_flags: <defaults>
</compile_context>

<pallas_src>
import functools

import jax
import jax.numpy as jnp
from jax import lax
from jax.experimental import pallas as pl
from jax.experimental.pallas import tpu as pltpu
from jax.experimental.pallas import tpu_sc as plsc

NC = 2
NS = 16
L = 16
NW = NC * NS


def _tc_prep(feat_ref, w_ref, lr_ref, ft_ref, alpha_ref):
    ft_ref[...] = jnp.dot(feat_ref[...], w_ref[...],
                          preferred_element_type=jnp.float32)
    alpha_ref[...] = jax.nn.sigmoid(lr_ref[...])


def _tc_combine(p_ref, out_ref):
    out_ref[...] = p_ref[0] + p_ref[1]


def _make_edge_kernels(N, E, D, C):
    EPW = E // NW
    B = 80
    NCH = EPW // B
    NPAIR = (NCH + 1) // 2
    G = B // L
    ZROWS = 125
    RPS = N // NS
    DZ = 640

    mesh = plsc.VectorSubcoreMesh(core_axis_name="c", subcore_axis_name="s")
    params = pltpu.CompilerParams(needs_layout_passes=False,
                                  use_tc_tiling_on_sc=False)

    @functools.partial(
        pl.kernel,
        out_type=[
            jax.ShapeDtypeStruct((E,), jnp.float32),
            jax.ShapeDtypeStruct((NC, N), jnp.float32),
        ],
        mesh=mesh,
        compiler_params=params,
        scratch_types=[
            pltpu.VMEM((NCH, B), jnp.int32),
            pltpu.VMEM((NCH, B), jnp.int32),
            pltpu.VMEM((B, D), jnp.float32),
            pltpu.VMEM((B, D), jnp.float32),
            pltpu.VMEM((B, D), jnp.float32),
            pltpu.VMEM((B, D), jnp.float32),
            pltpu.VMEM((EPW,), jnp.float32),
            pltpu.VMEM((DZ,), jnp.float32),
            pltpu.VMEM_SHARED((NS * DZ,), jnp.float32),
            pltpu.SemaphoreType.DMA,
            pltpu.SemaphoreType.DMA,
            pltpu.SemaphoreType.DMA,
            pltpu.SemaphoreType.DMA,
            pltpu.SemaphoreType.DMA,
        ],
    )
    def k2(ft, srci3, dsti3, ex_out, denp_out,
           idx_sv, idx_dv, rs0, rd0, rs1, rd1, exfull, zb, dsp,
           gs0, gd0, gs1, gd1, ssc):
        c = lax.axis_index("c")
        s = lax.axis_index("s")
        w = s * NC + c
        rs = (rs0, rs1)
        rd = (rd0, rd1)
        gs = (gs0, gs1)
        gd = (gd0, gd1)

        def zstore(i, carry):
            zb[pl.ds(i * L, L)] = jnp.zeros((L,), jnp.float32)
            return carry
        lax.fori_loop(0, DZ // L, zstore, 0)
        pltpu.sync_copy(zb, dsp.at[pl.ds(s * DZ, DZ)])

        pltpu.sync_copy(srci3.at[w], idx_sv)
        pltpu.sync_copy(dsti3.at[w], idx_dv)
        plsc.subcore_barrier()

        iota = lax.iota(jnp.int32, L)

        def start(ci, b):
            pltpu.async_copy(ft.at[idx_sv.at[ci]], rs[b], gs[b])
            pltpu.async_copy(ft.at[idx_dv.at[ci]], rd[b], gd[b])

        def wait(ci, b):
            pltpu.make_async_copy(ft.at[idx_sv.at[ci]], rs[b], gs[b]).wait()
            pltpu.make_async_copy(ft.at[idx_dv.at[ci]], rd[b], gd[b]).wait()

        def compute(ci, b):
            def group(g, gcarry):
                rowv = g * L + iota

                def fstep(f, acc):
                    colv = jnp.full((L,), f, jnp.int32)
                    a = plsc.load_gather(rs[b], [rowv, colv])
                    bb = plsc.load_gather(rd[b], [rowv, colv])
                    return acc + a * bb
                accv = lax.fori_loop(0, D, fstep,
                                     jnp.zeros((L,), jnp.float32), unroll=8)
                exfull[pl.ds(ci * B + g * L, L)] = jnp.exp(accv)
                return gcarry
            lax.fori_loop(0, G, group, 0)
            pltpu.async_copy(exfull.at[pl.ds(ci * B, B)],
                             dsp.at[idx_dv.at[ci]], ssc, add=True)

        start(0, 0)

        def pair(h, carry):
            ci0 = 2 * h
            wait(ci0, 0)

            @pl.when(ci0 + 1 < NCH)
            def _():
                start(ci0 + 1, 1)
            compute(ci0, 0)

            @pl.when(ci0 + 1 < NCH)
            def _():
                wait(ci0 + 1, 1)

                @pl.when(ci0 + 2 < NCH)
                def _():
                    start(ci0 + 2, 0)
                compute(ci0 + 1, 1)
            return carry
        lax.fori_loop(0, NPAIR, pair, 0)

        pltpu.sync_copy(exfull, ex_out.at[pl.ds(w * EPW, EPW)])

        def drain(ci, carry):
            pltpu.make_async_copy(exfull.at[pl.ds(ci * B, B)],
                                  dsp.at[idx_dv.at[ci]], ssc).wait()
            return carry
        lax.fori_loop(0, NCH, drain, 0)
        plsc.subcore_barrier()

        @pl.when(s == 0)
        def _():
            pltpu.sync_copy(dsp.at[pl.ds(0, N)], denp_out.at[c])

    @functools.partial(
        pl.kernel,
        out_type=[
            jax.ShapeDtypeStruct((E,), jnp.float32),
            jax.ShapeDtypeStruct((NC, N, C), jnp.float32),
        ],
        mesh=mesh,
        compiler_params=params,
        scratch_types=[
            pltpu.VMEM((NCH, B), jnp.int32),
            pltpu.VMEM((NCH, B), jnp.int32),
            pltpu.VMEM((EPW,), jnp.float32),
            pltpu.VMEM((EPW,), jnp.float32),
            pltpu.VMEM((B, C), jnp.float32),
            pltpu.VMEM((B, C), jnp.float32),
            pltpu.VMEM((N,), jnp.float32),
            pltpu.VMEM((N,), jnp.float32),
            pltpu.VMEM((ZROWS, C), jnp.float32),
            pltpu.VMEM_SHARED((N, C), jnp.float32),
            pltpu.SemaphoreType.DMA,
            pltpu.SemaphoreType.DMA,
            pltpu.SemaphoreType.DMA,
            pltpu.SemaphoreType.DMA,
        ],
    )
    def k3(ex_in, denp, srci3, dsti3, sl, att_out, rstp_out,
           idx_sv, idx_dv, exv, attv, sl0, sl1, dv, dv2, zb, rsp,
           g0, g1, sc0, sc1):
        c = lax.axis_index("c")
        s = lax.axis_index("s")
        w = s * NC + c
        slb = (sl0, sl1)
        gsem = (g0, g1)
        ssem = (sc0, sc1)

        pltpu.sync_copy(denp.at[0], dv)
        pltpu.sync_copy(denp.at[1], dv2)

        def dadd(i, carry):
            dv[pl.ds(i * L, L)] = dv[pl.ds(i * L, L)] + dv2[pl.ds(i * L, L)]
            return carry
        lax.fori_loop(0, N // L, dadd, 0)

        def zrow(k, carry):
            for kk in range(C // L):
                zb[k, pl.ds(kk * L, L)] = jnp.zeros((L,), jnp.float32)
            return carry
        lax.fori_loop(0, ZROWS, zrow, 0)
        for j in range(RPS // ZROWS):
            pltpu.sync_copy(zb, rsp.at[pl.ds(s * RPS + j * ZROWS, ZROWS)])

        pltpu.sync_copy(srci3.at[w], idx_sv)
        pltpu.sync_copy(dsti3.at[w], idx_dv)
        pltpu.sync_copy(ex_in.at[pl.ds(w * EPW, EPW)], exv)
        plsc.subcore_barrier()

        iota = lax.iota(jnp.int32, L)

        def start(ci, b):
            pltpu.async_copy(sl.at[idx_sv.at[ci]], slb[b], gsem[b])

        def wait_g(ci, b):
            pltpu.make_async_copy(sl.at[idx_sv.at[ci]], slb[b],
                                  gsem[b]).wait()

        def wait_s(ci, b):
            pltpu.make_async_copy(slb[b], rsp.at[idx_dv.at[ci]],
                                  ssem[b]).wait()

        def compute(ci, b):
            def group(g, gcarry):
                rowv = g * L + iota
                dstv = idx_dv[ci, pl.ds(g * L, L)]
                exvv = exv[pl.ds(ci * B + g * L, L)]
                dvals = plsc.load_gather(dv, [dstv])
                sa = exvv / dvals
                attv[pl.ds(ci * B + g * L, L)] = sa

                def fstep(f, fcarry):
                    colv = jnp.full((L,), f, jnp.int32)
                    v = plsc.load_gather(slb[b], [rowv, colv])
                    plsc.store_scatter(slb[b], [rowv, colv], v * sa)
                    return fcarry
                lax.fori_loop(0, C, fstep, 0, unroll=8)
                return gcarry
            lax.fori_loop(0, G, group, 0)
            pltpu.async_copy(slb[b], rsp.at[idx_dv.at[ci]], ssem[b],
                             add=True)

        start(0, 0)

        def pair(h, carry):
            ci0 = 2 * h
            wait_g(ci0, 0)

            @pl.when(jnp.logical_and(h > 0, ci0 + 1 < NCH))
            def _():
                wait_s(ci0 - 1, 1)

            @pl.when(ci0 + 1 < NCH)
            def _():
                start(ci0 + 1, 1)
            compute(ci0, 0)

            @pl.when(ci0 + 1 < NCH)
            def _():
                wait_g(ci0 + 1, 1)

                @pl.when(ci0 + 2 < NCH)
                def _():
                    wait_s(ci0, 0)
                    start(ci0 + 2, 0)
                compute(ci0 + 1, 1)
            return carry
        lax.fori_loop(0, NPAIR, pair, 0)

        wait_s(NCH - 1, (NCH - 1) % 2)
        wait_s(NCH - 2, (NCH - 2) % 2)

        pltpu.sync_copy(attv, att_out.at[pl.ds(w * EPW, EPW)])
        plsc.subcore_barrier()
        pltpu.sync_copy(rsp.at[pl.ds(s * RPS, RPS)],
                        rstp_out.at[c, pl.ds(s * RPS, RPS)])

    return k2, k3


def kernel(feat, soft_label, edge_index, W1, lr_alpha):
    N, D = feat.shape
    C = soft_label.shape[1]
    E = edge_index.shape[1]
    EPW = E // NW
    B = 80
    NCH = EPW // B
    src3 = edge_index[0].reshape(NW, NCH, B)
    dst3 = edge_index[1].reshape(NW, NCH, B)

    ft, alpha2 = pl.pallas_call(
        _tc_prep,
        out_shape=[
            jax.ShapeDtypeStruct((N, D), jnp.float32),
            jax.ShapeDtypeStruct((N, 1), jnp.float32),
        ],
    )(feat, W1, lr_alpha)

    k2, k3 = _make_edge_kernels(N, E, D, C)
    ex, denp = k2(ft, src3, dst3)
    att, rstp = k3(ex, denp, src3, dst3, soft_label)

    rst = pl.pallas_call(
        _tc_combine,
        out_shape=jax.ShapeDtypeStruct((N, C), jnp.float32),
    )(rstp)

    return (rst, att, alpha2.reshape(N))

# --- scband reference (transcript-rebuilt; emitter-appended) ---
"""Pipeline reference for scband-dot-gat-conv-1211180777629 (READ-ONLY COPY).

The authoritative reference and input builder live on the scoring server;
editing this copy changes nothing except your own understanding.
"""

import jax, jax.numpy as jnp
import numpy as np

N = 10000
E = 320000
D_IN = 128
D_OUT = 128
NUM_CLASS = 64


def setup_inputs(seed: int = 0) -> dict:
    key = jax.random.key(seed)
    k1, k2, k3, k4 = jax.random.split(key, 4)
    feat = jax.random.normal(k1, (N, D_IN), dtype=jnp.float32)
    soft_label = jax.random.uniform(k2, (N, NUM_CLASS), dtype=jnp.float32)
    edge_index = jax.random.randint(k3, (2, E), 0, N, dtype=jnp.int32)
    # learned params: fc weight (no bias) and lr_alpha (initialized to zeros, as in the module)
    W1 = jax.random.normal(k4, (D_IN, D_OUT), dtype=jnp.float32) * (1.0 / np.sqrt(D_IN))
    lr_alpha = jnp.zeros((N, 1), dtype=jnp.float32)
    return {"feat": feat, "soft_label": soft_label, "edge_index": edge_index, "W1": W1, "lr_alpha": lr_alpha}


def reference(feat, soft_label, edge_index, W1, lr_alpha):
    src = edge_index[0]
    dst = edge_index[1]
    # feat_src = feat_dst = self.fc(feat)
    ft = feat @ W1
    # apply_edges(fn.u_dot_v): per-edge dot product of src/dst projected feats
    e = jnp.sum(ft[src] * ft[dst], axis=-1)  # [E]
    # edge_softmax: softmax over incoming edges of each dst node
    m = jax.ops.segment_max(e, dst, num_segments=N)
    m = jnp.where(jnp.isfinite(m), m, 0.0)
    ex = jnp.exp(e - m[dst])
    denom = jax.ops.segment_sum(ex, dst, num_segments=N)
    sa = ex / denom[dst]  # [E]
    att = sa  # squeezed edge attention
    # update_all(u_mul_e('ft','sa'), sum): aggregate soft labels weighted by attention
    rst = jax.ops.segment_sum(soft_label[src] * sa[:, None], dst, num_segments=N)  # [N, NUM_CLASS]
    alpha = jax.nn.sigmoid(lr_alpha).squeeze()  # [N]
    return (rst, att, alpha)

if __name__ == "__main__":
    import jax
    _d = setup_inputs()
    print(jax.jit(kernel)(*tuple(_d.values())))

</pallas_src>

<mosaic_0001>
#map = affine_map<(d0, d1) -> (0, 0)>
#map1 = affine_map<(d0, d1) -> (0, 0, 0)>
#map2 = affine_map<(d0, d1) -> (0)>
module attributes {stable_mosaic.version = 14 : i64} {
  func.func @k2(%arg0: i32, %arg1: i32, %arg2: memref<10000x128xf32, #tpu.memory_space<hbm>>, %arg3: memref<32x125x80xi32, #tpu.memory_space<hbm>>, %arg4: memref<32x125x80xi32, #tpu.memory_space<hbm>>, %arg5: memref<320000xf32, #tpu.memory_space<hbm>>, %arg6: memref<2x10000xf32, #tpu.memory_space<hbm>>, %arg7: memref<125x80xi32, #tpu.memory_space<vmem>>, %arg8: memref<125x80xi32, #tpu.memory_space<vmem>>, %arg9: memref<80x128xf32, #tpu.memory_space<vmem>>, %arg10: memref<80x128xf32, #tpu.memory_space<vmem>>, %arg11: memref<80x128xf32, #tpu.memory_space<vmem>>, %arg12: memref<80x128xf32, #tpu.memory_space<vmem>>, %arg13: memref<10000xf32, #tpu.memory_space<vmem>>, %arg14: memref<640xf32, #tpu.memory_space<vmem>>, %arg15: memref<10240xf32, #tpu.memory_space<vmem_shared>>, %arg16: memref<!tpu.dma_semaphore, #tpu.memory_space<semaphore_mem>>, %arg17: memref<!tpu.dma_semaphore, #tpu.memory_space<semaphore_mem>>, %arg18: memref<!tpu.dma_semaphore, #tpu.memory_space<semaphore_mem>>, %arg19: memref<!tpu.dma_semaphore, #tpu.memory_space<semaphore_mem>>, %arg20: memref<!tpu.dma_semaphore, #tpu.memory_space<semaphore_mem>>) attributes {dimension_semantics = [#tpu.dimension_semantics<core_parallel>, #tpu.dimension_semantics<subcore_parallel>], iteration_bounds = array<i64: 2, 16>, scalar_prefetch = 0 : i64, scratch_operands = 14 : i64, tpu.core_type = #tpu.core_type<sc_vector_subcore>, window_params = [{transform_indices = #map}, {transform_indices = #map1}, {transform_indices = #map1}, {transform_indices = #map2}, {transform_indices = #map}]} {
    %mul3A = arith.constant 2 : i32
    %mul3A_0 = arith.muli %arg1, %mul3A : i32
    %add3A = arith.addi %mul3A_0, %arg0 : i32
    %scan3A = arith.constant 0 : i32
    %scan3A_1 = arith.constant 0 : i32
    %scan3A_2 = arith.constant 40 : i32
    %scan3A_3 = arith.addi %scan3A_1, %scan3A_2 : i32
    %scan3A_4 = arith.constant 1 : i32
    scf.for %scan3A_38 = %scan3A_1 to %scan3A_3 step %scan3A_4  : i32 {
      %broadcast_in_dim3A = arith.constant 0.000000e+00 : f32
      %broadcast_in_dim3A_39 = vector.broadcast %broadcast_in_dim3A : f32 to vector<16xf32>
      %mul3A_40 = arith.constant 16 : i32
      %mul3A_41 = arith.muli %scan3A_38, %mul3A_40 : i32
      %swap3A = arith.index_cast %mul3A_41 : i32 to index
      %swap3A_42 = tpu.vector_load %arg14[%swap3A] {strides = array<i32>} : memref<640xf32, #tpu.memory_space<vmem>>, vector<16xf32>,
      tpu.vector_store %arg14[%swap3A], %broadcast_in_dim3A_39 {strides = array<i32>} : memref<640xf32, #tpu.memory_space<vmem>>, vector<16xf32>,
    }
    %scan3A_5 = arith.constant 40 : i32
    %mul3A_6 = arith.constant 640 : i32
    %mul3A_7 = arith.muli %arg1, %mul3A_6 : i32
    "tpu.region"() ({
      %run_scoped3A = tpu.sem_alloc : memref<!tpu.dma_semaphore, #tpu.memory_space<semaphore_mem>>
      %dma_start3A_38 = tpu.memref_slice %arg15[%mul3A_7] : memref<10240xf32, #tpu.memory_space<vmem_shared>> -> memref<640xf32, #tpu.memory_space<vmem_shared>>
      %dma_start3A_39 = tpu.memref_slice %arg15[%mul3A_7] : memref<10240xf32, #tpu.memory_space<vmem_shared>> -> memref<640xf32, #tpu.memory_space<vmem_shared>>
      tpu.enqueue_dma source(%arg14 : memref<640xf32, #tpu.memory_space<vmem>>) target(%dma_start3A_39 : memref<640xf32, #tpu.memory_space<vmem_shared>>) target_semaphore(%run_scoped3A : memref<!tpu.dma_semaphore, #tpu.memory_space<semaphore_mem>>)
      %dma_wait3A = tpu.memref_slice %arg15[%mul3A_7] : memref<10240xf32, #tpu.memory_space<vmem_shared>> -> memref<640xf32, #tpu.memory_space<vmem_shared>>
      %dma_wait3A_40 = tpu.memref_slice %arg15[%mul3A_7] : memref<10240xf32, #tpu.memory_space<vmem_shared>> -> memref<640xf32, #tpu.memory_space<vmem_shared>>
      tpu.wait_dma2 semaphore(%run_scoped3A : memref<!tpu.dma_semaphore, #tpu.memory_space<semaphore_mem>>) src(%arg14 : memref<640xf32, #tpu.memory_space<vmem>>) dst(%dma_wait3A_40 : memref<640xf32, #tpu.memory_space<vmem_shared>>)
      tpu.yield
    }) : () -> ()
    "tpu.region"() ({
      %run_scoped3A = tpu.sem_alloc : memref<!tpu.dma_semaphore, #tpu.memory_space<semaphore_mem>>
      %dma_start3A_38 = arith.constant 0 : i32
      %dma_start3A_39 = arith.constant 0 : i32
      %dma_start3A_40 = tpu.memref_slice %arg3[%add3A, %dma_start3A_38, %dma_start3A_39] : memref<32x125x80xi32, #tpu.memory_space<hbm>> -> memref<1x125x80xi32, #tpu.memory_space<hbm>>
      %dma_start3A_41 = tpu.memref_squeeze %dma_start3A_40 : memref<1x125x80xi32, #tpu.memory_space<hbm>> -> memref<125x80xi32, #tpu.memory_space<hbm>>
      %dma_start3A_42 = arith.constant 0 : i32
      %dma_start3A_43 = arith.constant 0 : i32
      %dma_start3A_44 = tpu.memref_slice %arg3[%add3A, %dma_start3A_42, %dma_start3A_43] : memref<32x125x80xi32, #tpu.memory_space<hbm>> -> memref<1x125x80xi32, #tpu.memory_space<hbm>>
      %dma_start3A_45 = tpu.memref_squeeze %dma_start3A_44 : memref<1x125x80xi32, #tpu.memory_space<hbm>> -> memref<125x80xi32, #tpu.memory_space<hbm>>
      tpu.enqueue_dma source(%dma_start3A_45 : memref<125x80xi32, #tpu.memory_space<hbm>>) target(%arg7 : memref<125x80xi32, #tpu.memory_space<vmem>>) target_semaphore(%run_scoped3A : memref<!tpu.dma_semaphore, #tpu.memory_space<semaphore_mem>>)
      %dma_wait3A = arith.constant 0 : i32
      %dma_wait3A_46 = arith.constant 0 : i32
      %dma_wait3A_47 = tpu.memref_slice %arg3[%add3A, %dma_wait3A, %dma_wait3A_46] : memref<32x125x80xi32, #tpu.memory_space<hbm>> -> memref<1x125x80xi32, #tpu.memory_space<hbm>>
      %dma_wait3A_48 = tpu.memref_squeeze %dma_wait3A_47 : memref<1x125x80xi32, #tpu.memory_space<hbm>> -> memref<125x80xi32, #tpu.memory_space<hbm>>
      %dma_wait3A_49 = arith.constant 0 : i32
      %dma_wait3A_50 = arith.constant 0 : i32
      %dma_wait3A_51 = tpu.memref_slice %arg3[%add3A, %dma_wait3A_49, %dma_wait3A_50] : memref<32x125x80xi32, #tpu.memory_space<hbm>> -> memref<1x125x80xi32, #tpu.memory_space<hbm>>
      %dma_wait3A_52 = tpu.memref_squeeze %dma_wait3A_51 : memref<1x125x80xi32, #tpu.memory_space<hbm>> -> memref<125x80xi32, #tpu.memory_space<hbm>>
      tpu.wait_dma2 semaphore(%run_scoped3A : memref<!tpu.dma_semaphore, #tpu.memory_space<semaphore_mem>>) src(%dma_wait3A_52 : memref<125x80xi32, #tpu.memory_space<hbm>>) dst(%arg7 : memref<125x80xi32, #tpu.memory_space<vmem>>)
      tpu.yield
    }) : () -> ()
    "tpu.region"() ({
      %run_scoped3A = tpu.sem_alloc : memref<!tpu.dma_semaphore, #tpu.memory_space<semaphore_mem>>
      %dma_start3A_38 = arith.constant 0 : i32
      %dma_start3A_39 = arith.constant 0 : i32
      %dma_start3A_40 = tpu.memref_slice %arg4[%add3A, %dma_start3A_38, %dma_start3A_39] : memref<32x125x80xi32, #tpu.memory_space<hbm>> -> memref<1x125x80xi32, #tpu.memory_space<hbm>>
      %dma_start3A_41 = tpu.memref_squeeze %dma_start3A_40 : memref<1x125x80xi32, #tpu.memory_space<hbm>> -> memref<125x80xi32, #tpu.memory_space<hbm>>
      %dma_start3A_42 = arith.constant 0 : i32
      %dma_start3A_43 = arith.constant 0 : i32
      %dma_start3A_44 = tpu.memref_slice %arg4[%add3A, %dma_start3A_42, %dma_start3A_43] : memref<32x125x80xi32, #tpu.memory_space<hbm>> -> memref<1x125x80xi32, #tpu.memory_space<hbm>>
      %dma_start3A_45 = tpu.memref_squeeze %dma_start3A_44 : memref<1x125x80xi32, #tpu.memory_space<hbm>> -> memref<125x80xi32, #tpu.memory_space<hbm>>
      tpu.enqueue_dma source(%dma_start3A_45 : memref<125x80xi32, #tpu.memory_space<hbm>>) target(%arg8 : memref<125x80xi32, #tpu.memory_space<vmem>>) target_semaphore(%run_scoped3A : memref<!tpu.dma_semaphore, #tpu.memory_space<semaphore_mem>>)
      %dma_wait3A = arith.constant 0 : i32
      %dma_wait3A_46 = arith.constant 0 : i32
      %dma_wait3A_47 = tpu.memref_slice %arg4[%add3A, %dma_wait3A, %dma_wait3A_46] : memref<32x125x80xi32, #tpu.memory_space<hbm>> -> memref<1x125x80xi32, #tpu.memory_space<hbm>>
      %dma_wait3A_48 = tpu.memref_squeeze %dma_wait3A_47 : memref<1x125x80xi32, #tpu.memory_space<hbm>> -> memref<125x80xi32, #tpu.memory_space<hbm>>
      %dma_wait3A_49 = arith.constant 0 : i32
      %dma_wait3A_50 = arith.constant 0 : i32
      %dma_wait3A_51 = tpu.memref_slice %arg4[%add3A, %dma_wait3A_49, %dma_wait3A_50] : memref<32x125x80xi32, #tpu.memory_space<hbm>> -> memref<1x125x80xi32, #tpu.memory_space<hbm>>
      %dma_wait3A_52 = tpu.memref_squeeze %dma_wait3A_51 : memref<1x125x80xi32, #tpu.memory_space<hbm>> -> memref<125x80xi32, #tpu.memory_space<hbm>>
      tpu.wait_dma2 semaphore(%run_scoped3A : memref<!tpu.dma_semaphore, #tpu.memory_space<semaphore_mem>>) src(%dma_wait3A_52 : memref<125x80xi32, #tpu.memory_space<hbm>>) dst(%arg8 : memref<125x80xi32, #tpu.memory_space<vmem>>)
      tpu.yield
    }) : () -> ()
    %barrier3A = arith.constant 0 : index
    tpu.barrier barrier_id(%barrier3A)
    %iota3A = tpu.iota {dimensions = array<i32: 0>} : vector<16xi32>
    %dma_start3A = arith.constant 0 : i32
    %dma_start3A_8 = arith.constant 0 : i32
    %dma_start3A_9 = tpu.memref_slice %arg7[%dma_start3A, %dma_start3A_8] : memref<125x80xi32, #tpu.memory_space<vmem>> -> memref<1x80xi32, #tpu.memory_space<vmem>>
    %dma_start3A_10 = tpu.memref_squeeze %dma_start3A_9 : memref<1x80xi32, #tpu.memory_space<vmem>> -> memref<80xi32, #tpu.memory_space<vmem>>
    %dma_start3A_11 = arith.constant 0 : i32
    %dma_start3A_12 = arith.constant 0 : i32
    %dma_start3A_13 = tpu.memref_slice %arg2[%dma_start3A_11, %dma_start3A_12] : memref<10000x128xf32, #tpu.memory_space<hbm>> -> memref<10000x128xf32, #tpu.memory_space<hbm>>
    tpu.enqueue_indirect_dma source(%dma_start3A_13 : memref<10000x128xf32, #tpu.memory_space<hbm>>) target(%arg9 : memref<80x128xf32, #tpu.memory_space<vmem>>) offsets(%dma_start3A_10 : memref<80xi32, #tpu.memory_space<vmem>>) semaphore(%arg16 : memref<!tpu.dma_semaphore, #tpu.memory_space<semaphore_mem>>)
    %dma_start3A_14 = arith.constant 0 : i32
    %dma_start3A_15 = arith.constant 0 : i32
    %dma_start3A_16 = tpu.memref_slice %arg8[%dma_start3A_14, %dma_start3A_15] : memref<125x80xi32, #tpu.memory_space<vmem>> -> memref<1x80xi32, #tpu.memory_space<vmem>>
    %dma_start3A_17 = tpu.memref_squeeze %dma_start3A_16 : memref<1x80xi32, #tpu.memory_space<vmem>> -> memref<80xi32, #tpu.memory_space<vmem>>
    %dma_start3A_18 = arith.constant 0 : i32
    %dma_start3A_19 = arith.constant 0 : i32
    %dma_start3A_20 = tpu.memref_slice %arg2[%dma_start3A_18, %dma_start3A_19] : memref<10000x128xf32, #tpu.memory_space<hbm>> -> memref<10000x128xf32, #tpu.memory_space<hbm>>
    tpu.enqueue_indirect_dma source(%dma_start3A_20 : memref<10000x128xf32, #tpu.memory_space<hbm>>) target(%arg10 : memref<80x128xf32, #tpu.memory_space<vmem>>) offsets(%dma_start3A_17 : memref<80xi32, #tpu.memory_space<vmem>>) semaphore(%arg17 : memref<!tpu.dma_semaphore, #tpu.memory_space<semaphore_mem>>)
    %scan3A_21 = arith.constant 0 : i32
    %scan3A_22 = arith.constant 0 : i32
    %scan3A_23 = arith.constant 63 : i32
    %scan3A_24 = arith.addi %scan3A_22, %scan3A_23 : i32
    %scan3A_25 = arith.constant 1 : i32
    scf.for %scan3A_38 = %scan3A_22 to %scan3A_24 step %scan3A_25  : i32 {
      %mul3A_39 = arith.constant 2 : i32
      %mul3A_40 = arith.muli %mul3A_39, %scan3A_38 : i32
      %dma_wait3A = arith.constant 0 : i32
      %dma_wait3A_41 = tpu.memref_slice %arg7[%mul3A_40, %dma_wait3A] : memref<125x80xi32, #tpu.memory_space<vmem>> -> memref<1x80xi32, #tpu.memory_space<vmem>>
      %dma_wait3A_42 = tpu.memref_squeeze %dma_wait3A_41 : memref<1x80xi32, #tpu.memory_space<vmem>> -> memref<80xi32, #tpu.memory_space<vmem>>
      %dma_wait3A_43 = arith.constant 0 : i32
      %dma_wait3A_44 = arith.constant 0 : i32
      %dma_wait3A_45 = tpu.memref_slice %arg2[%dma_wait3A_43, %dma_wait3A_44] : memref<10000x128xf32, #tpu.memory_space<hbm>> -> memref<10000x128xf32, #tpu.memory_space<hbm>>
      tpu.wait_indirect_dma semaphore(%arg16 : memref<!tpu.dma_semaphore, #tpu.memory_space<semaphore_mem>>) src(%dma_wait3A_45 : memref<10000x128xf32, #tpu.memory_space<hbm>>) dst(%arg9 : memref<80x128xf32, #tpu.memory_space<vmem>>)
      %dma_wait3A_46 = arith.constant 0 : i32
      %dma_wait3A_47 = tpu.memref_slice %arg8[%mul3A_40, %dma_wait3A_46] : memref<125x80xi32, #tpu.memory_space<vmem>> -> memref<1x80xi32, #tpu.memory_space<vmem>>
      %dma_wait3A_48 = tpu.memref_squeeze %dma_wait3A_47 : memref<1x80xi32, #tpu.memory_space<vmem>> -> memref<80xi32, #tpu.memory_space<vmem>>
      %dma_wait3A_49 = arith.constant 0 : i32
      %dma_wait3A_50 = arith.constant 0 : i32
      %dma_wait3A_51 = tpu.memref_slice %arg2[%dma_wait3A_49, %dma_wait3A_50] : memref<10000x128xf32, #tpu.memory_space<hbm>> -> memref<10000x128xf32, #tpu.memory_space<hbm>>
      tpu.wait_indirect_dma semaphore(%arg17 : memref<!tpu.dma_semaphore, #tpu.memory_space<semaphore_mem>>) src(%dma_wait3A_51 : memref<10000x128xf32, #tpu.memory_space<hbm>>) dst(%arg10 : memref<80x128xf32, #tpu.memory_space<vmem>>)
      %add3A_52 = arith.constant 1 : i32
      %add3A_53 = arith.addi %mul3A_40, %add3A_52 : i32
      %lt3A = arith.constant 125 : i32
      %lt3A_54 = arith.cmpi slt, %add3A_53, %lt3A : i32
      %convert_element_type3A_55 = arith.extui %lt3A_54 : i1 to i32
      %cond3A_56 = arith.constant 0 : i32
      %cond3A_57 = arith.cmpi ne, %convert_element_type3A_55, %cond3A_56 : i32
      scf.if %cond3A_57 {
        %add3A_79 = arith.constant 1 : i32
        %add3A_80 = arith.addi %mul3A_40, %add3A_79 : i32
        %dma_start3A_81 = arith.constant 0 : i32
        %dma_start3A_82 = tpu.memref_slice %arg7[%add3A_80, %dma_start3A_81] : memref<125x80xi32, #tpu.memory_space<vmem>> -> memref<1x80xi32, #tpu.memory_space<vmem>>
        %dma_start3A_83 = tpu.memref_squeeze %dma_start3A_82 : memref<1x80xi32, #tpu.memory_space<vmem>> -> memref<80xi32, #tpu.memory_space<vmem>>
        %dma_start3A_84 = arith.constant 0 : i32
        %dma_start3A_85 = arith.constant 0 : i32
        %dma_start3A_86 = tpu.memref_slice %arg2[%dma_start3A_84, %dma_start3A_85] : memref<10000x128xf32, #tpu.memory_space<hbm>> -> memref<10000x128xf32, #tpu.memory_space<hbm>>
        tpu.enqueue_indirect_dma source(%dma_start3A_86 : memref<10000x128xf32, #tpu.memory_space<hbm>>) target(%arg11 : memref<80x128xf32, #tpu.memory_space<vmem>>) offsets(%dma_start3A_83 : memref<80xi32, #tpu.memory_space<vmem>>) semaphore(%arg18 : memref<!tpu.dma_semaphore, #tpu.memory_space<semaphore_mem>>)
        %dma_start3A_87 = arith.constant 0 : i32
        %dma_start3A_88 = tpu.memref_slice %arg8[%add3A_80, %dma_start3A_87] : memref<125x80xi32, #tpu.memory_space<vmem>> -> memref<1x80xi32, #tpu.memory_space<vmem>>
        %dma_start3A_89 = tpu.memref_squeeze %dma_start3A_88 : memref<1x80xi32, #tpu.memory_space<vmem>> -> memref<80xi32, #tpu.memory_space<vmem>>
        %dma_start3A_90 = arith.constant 0 : i32
        %dma_start3A_91 = arith.constant 0 : i32
        %dma_start3A_92 = tpu.memref_slice %arg2[%dma_start3A_90, %dma_start3A_91] : memref<10000x128xf32, #tpu.memory_space<hbm>> -> memref<10000x128xf32, #tpu.memory_space<hbm>>
        tpu.enqueue_indirect_dma source(%dma_start3A_92 : memref<10000x128xf32, #tpu.memory_space<hbm>>) target(%arg12 : memref<80x128xf32, #tpu.memory_space<vmem>>) offsets(%dma_start3A_89 : memref<80xi32, #tpu.memory_space<vmem>>) semaphore(%arg19 : memref<!tpu.dma_semaphore, #tpu.memory_space<semaphore_mem>>)
      } else {
      }
      %scan3A_58 = arith.constant 0 : i32
      %scan3A_59 = arith.constant 0 : i32
      %scan3A_60 = arith.constant 5 : i32
      %scan3A_61 = arith.addi %scan3A_59, %scan3A_60 : i32
      %scan3A_62 = arith.constant 1 : i32
      scf.for %scan3A_79 = %scan3A_59 to %scan3A_61 step %scan3A_62  : i32 {
        %mul3A_80 = arith.constant 16 : i32
        %mul3A_81 = arith.muli %scan3A_79, %mul3A_80 : i32
        %add3A_82 = vector.broadcast %mul3A_81 : i32 to vector<16xi32>
        %add3A_83 = arith.addi %add3A_82, %iota3A : vector<16xi32>
        %broadcast_in_dim3A = arith.constant 0.000000e+00 : f32
        %broadcast_in_dim3A_84 = vector.broadcast %broadcast_in_dim3A : f32 to vector<16xf32>
        %scan3A_85 = arith.constant 0 : i32
        %scan3A_86 = arith.constant 128 : i32
        %scan3A_87 = arith.addi %scan3A_85, %scan3A_86 : i32
        %scan3A_88 = arith.constant 8 : i32
        %scan3A_89 = scf.for %scan3A_97 = %scan3A_85 to %scan3A_87 step %scan3A_88 iter_args(%scan3A_98 = %broadcast_in_dim3A_84) -> (vector<16xf32>)  : i32 {
          %broadcast_in_dim3A_99 = vector.broadcast %scan3A_97 : i32 to vector<16xi32>
          %gather3A = tpu.vector_load_idx %arg9[%add3A_83, %broadcast_in_dim3A_99] : memref<80x128xf32, #tpu.memory_space<vmem>>[vector<16xi32>, vector<16xi32>], vector<16xf32>,
          %gather3A_100 = tpu.vector_load_idx %arg10[%add3A_83, %broadcast_in_dim3A_99] : memref<80x128xf32, #tpu.memory_space<vmem>>[vector<16xi32>, vector<16xi32>], vector<16xf32>,
          %mul3A_101 = arith.mulf %gather3A, %gather3A_100 : vector<16xf32>
          %add3A_102 = arith.addf %scan3A_98, %mul3A_101 : vector<16xf32>
          %scan3A_103 = arith.constant 1 : i32
          %scan3A_104 = arith.addi %scan3A_97, %scan3A_103 : i32
          %broadcast_in_dim3A_105 = vector.broadcast %scan3A_104 : i32 to vector<16xi32>
          %gather3A_106 = tpu.vector_load_idx %arg9[%add3A_83, %broadcast_in_dim3A_105] : memref<80x128xf32, #tpu.memory_space<vmem>>[vector<16xi32>, vector<16xi32>], vector<16xf32>,
          %gather3A_107 = tpu.vector_load_idx %arg10[%add3A_83, %broadcast_in_dim3A_105] : memref<80x128xf32, #tpu.memory_space<vmem>>[vector<16xi32>, vector<16xi32>], vector<16xf32>,
          %mul3A_108 = arith.mulf %gather3A_106, %gather3A_107 : vector<16xf32>
          %add3A_109 = arith.addf %add3A_102, %mul3A_108 : vector<16xf32>
          %scan3A_110 = arith.constant 2 : i32
          %scan3A_111 = arith.addi %scan3A_97, %scan3A_110 : i32
          %broadcast_in_dim3A_112 = vector.broadcast %scan3A_111 : i32 to vector<16xi32>
          %gather3A_113 = tpu.vector_load_idx %arg9[%add3A_83, %broadcast_in_dim3A_112] : memref<80x128xf32, #tpu.memory_space<vmem>>[vector<16xi32>, vector<16xi32>], vector<16xf32>,
          %gather3A_114 = tpu.vector_load_idx %arg10[%add3A_83, %broadcast_in_dim3A_112] : memref<80x128xf32, #tpu.memory_space<vmem>>[vector<16xi32>, vector<16xi32>], vector<16xf32>,
          %mul3A_115 = arith.mulf %gather3A_113, %gather3A_114 : vector<16xf32>
          %add3A_116 = arith.addf %add3A_109, %mul3A_115 : vector<16xf32>
          %scan3A_117 = arith.constant 3 : i32
          %scan3A_118 = arith.addi %scan3A_97, %scan3A_117 : i32
          %broadcast_in_dim3A_119 = vector.broadcast %scan3A_118 : i32 to vector<16xi32>
          %gather3A_120 = tpu.vector_load_idx %arg9[%add3A_83, %broadcast_in_dim3A_119] : memref<80x128xf32, #tpu.memory_space<vmem>>[vector<16xi32>, vector<16xi32>], vector<16xf32>,
          %gather3A_121 = tpu.vector_load_idx %arg10[%add3A_83, %broadcast_in_dim3A_119] : memref<80x128xf32, #tpu.memory_space<vmem>>[vector<16xi32>, vector<16xi32>], vector<16xf32>,
          %mul3A_122 = arith.mulf %gather3A_120, %gather3A_121 : vector<16xf32>
          %add3A_123 = arith.addf %add3A_116, %mul3A_122 : vector<16xf32>
          %scan3A_124 = arith.constant 4 : i32
          %scan3A_125 = arith.addi %scan3A_97, %scan3A_124 : i32
          %broadcast_in_dim3A_126 = vector.broadcast %scan3A_125 : i32 to vector<16xi32>
          %gather3A_127 = tpu.vector_load_idx %arg9[%add3A_83, %broadcast_in_dim3A_126] : memref<80x128xf32, #tpu.memory_space<vmem>>[vector<16xi32>, vector<16xi32>], vector<16xf32>,
          %gather3A_128 = tpu.vector_load_idx %arg10[%add3A_83, %broadcast_in_dim3A_126] : memref<80x128xf32, #tpu.memory_space<vmem>>[vector<16xi32>, vector<16xi32>], vector<16xf32>,
          %mul3A_129 = arith.mulf %gather3A_127, %gather3A_128 : vector<16xf32>
          %add3A_130 = arith.addf %add3A_123, %mul3A_129 : vector<16xf32>
          %scan3A_131 = arith.constant 5 : i32
          %scan3A_132 = arith.addi %scan3A_97, %scan3A_131 : i32
          %broadcast_in_dim3A_133 = vector.broadcast %scan3A_132 : i32 to vector<16xi32>
          %gather3A_134 = tpu.vector_load_idx %arg9[%add3A_83, %broadcast_in_dim3A_133] : memref<80x128xf32, #tpu.memory_space<vmem>>[vector<16xi32>, vector<16xi32>], vector<16xf32>,
          %gather3A_135 = tpu.vector_load_idx %arg10[%add3A_83, %broadcast_in_dim3A_133] : memref<80x128xf32, #tpu.memory_space<vmem>>[vector<16xi32>, vector<16xi32>], vector<16xf32>,
          %mul3A_136 = arith.mulf %gather3A_134, %gather3A_135 : vector<16xf32>
          %add3A_137 = arith.addf %add3A_130, %mul3A_136 : vector<16xf32>
          %scan3A_138 = arith.constant 6 : i32
          %scan3A_139 = arith.addi %scan3A_97, %scan3A_138 : i32
          %broadcast_in_dim3A_140 = vector.broadcast %scan3A_139 : i32 to vector<16xi32>
          %gather3A_141 = tpu.vector_load_idx %arg9[%add3A_83, %broadcast_in_dim3A_140] : memref<80x128xf32, #tpu.memory_space<vmem>>[vector<16xi32>, vector<16xi32>], vector<16xf32>,
          %gather3A_142 = tpu.vector_load_idx %arg10[%add3A_83, %broadcast_in_dim3A_140] : memref<80x128xf32, #tpu.memory_space<vmem>>[vector<16xi32>, vector<16xi32>], vector<16xf32>,
          %mul3A_143 = arith.mulf %gather3A_141, %gather3A_142 : vector<16xf32>
          %add3A_144 = arith.addf %add3A_137, %mul3A_143 : vector<16xf32>
          %scan3A_145 = arith.constant 7 : i32
          %scan3A_146 = arith.addi %scan3A_97, %scan3A_145 : i32
          %broadcast_in_dim3A_147 = vector.broadcast %scan3A_146 : i32 to vector<16xi32>
          %gather3A_148 = tpu.vector_load_idx %arg9[%add3A_83, %broadcast_in_dim3A_147] : memref<80x128xf32, #tpu.memory_space<vmem>>[vector<16xi32>, vector<16xi32>], vector<16xf32>,
          %gather3A_149 = tpu.vector_load_idx %arg10[%add3A_83, %broadcast_in_dim3A_147] : memref<80x128xf32, #tpu.memory_space<vmem>>[vector<16xi32>, vector<16xi32>], vector<16xf32>,
          %mul3A_150 = arith.mulf %gather3A_148, %gather3A_149 : vector<16xf32>
          %add3A_151 = arith.addf %add3A_144, %mul3A_150 : vector<16xf32>
          scf.yield %add3A_151 : vector<16xf32>
        }
        %scan3A_90 = arith.constant 128 : i32
        %exp3A = math.exp %scan3A_89 : vector<16xf32>
        %mul3A_91 = arith.constant 80 : i32
        %mul3A_92 = arith.muli %mul3A_40, %mul3A_91 : i32
        %mul3A_93 = arith.constant 16 : i32
        %mul3A_94 = arith.muli %scan3A_79, %mul3A_93 : i32
        %add3A_95 = arith.addi %mul3A_92, %mul3A_94 : i32
        %swap3A = arith.index_cast %add3A_95 : i32 to index
        %swap3A_96 = tpu.vector_load %arg13[%swap3A] {strides = array<i32>} : memref<10000xf32, #tpu.memory_space<vmem>>, vector<16xf32>,
        tpu.vector_store %arg13[%swap3A], %exp3A {strides = array<i32>} : memref<10000xf32, #tpu.memory_space<vmem>>, vector<16xf32>,
      }
      %scan3A_63 = arith.constant 5 : i32
      %mul3A_64 = arith.constant 80 : i32
      %mul3A_65 = arith.muli %mul3A_40, %mul3A_64 : i32
      %dma_start3A_66 = tpu.memref_slice %arg13[%mul3A_65] : memref<10000xf32, #tpu.memory_space<vmem>> -> memref<80xf32, #tpu.memory_space<vmem>>
      %dma_start3A_67 = arith.constant 0 : i32
      %dma_start3A_68 = tpu.memref_slice %arg8[%mul3A_40, %dma_start3A_67] : memref<125x80xi32, #tpu.memory_space<vmem>> -> memref<1x80xi32, #tpu.memory_space<vmem>>
      %dma_start3A_69 = tpu.memref_squeeze %dma_start3A_68 : memref<1x80xi32, #tpu.memory_space<vmem>> -> memref<80xi32, #tpu.memory_space<vmem>>
      %dma_start3A_70 = arith.constant 0 : i32
      %dma_start3A_71 = tpu.memref_slice %arg15[%dma_start3A_70] : memref<10240xf32, #tpu.memory_space<vmem_shared>> -> memref<10240xf32, #tpu.memory_space<vmem_shared>>
      tpu.enqueue_indirect_dma source(%dma_start3A_66 : memref<80xf32, #tpu.memory_space<vmem>>) target(%dma_start3A_71 : memref<10240xf32, #tpu.memory_space<vmem_shared>>) offsets(%dma_start3A_69 : memref<80xi32, #tpu.memory_space<vmem>>) semaphore(%arg20 : memref<!tpu.dma_semaphore, #tpu.memory_space<semaphore_mem>>) {add = true}
      %add3A_72 = arith.constant 1 : i32
      %add3A_73 = arith.addi %mul3A_40, %add3A_72 : i32
      %lt3A_74 = arith.constant 125 : i32
      %lt3A_75 = arith.cmpi slt, %add3A_73, %lt3A_74 : i32
      %convert_element_type3A_76 = arith.extui %lt3A_75 : i1 to i32
      %cond3A_77 = arith.constant 0 : i32
      %cond3A_78 = arith.cmpi ne, %convert_element_type3A_76, %cond3A_77 : i32
      scf.if %cond3A_78 {
        %add3A_79 = arith.constant 1 : i32
        %add3A_80 = arith.addi %mul3A_40, %add3A_79 : i32
        %dma_wait3A_81 = arith.constant 0 : i32
        %dma_wait3A_82 = tpu.memref_slice %arg7[%add3A_80, %dma_wait3A_81] : memref<125x80xi32, #tpu.memory_space<vmem>> -> memref<1x80xi32, #tpu.memory_space<vmem>>
        %dma_wait3A_83 = tpu.memref_squeeze %dma_wait3A_82 : memref<1x80xi32, #tpu.memory_space<vmem>> -> memref<80xi32, #tpu.memory_space<vmem>>
        %dma_wait3A_84 = arith.constant 0 : i32
        %dma_wait3A_85 = arith.constant 0 : i32
        %dma_wait3A_86 = tpu.memref_slice %arg2[%dma_wait3A_84, %dma_wait3A_85] : memref<10000x128xf32, #tpu.memory_space<hbm>> -> memref<10000x128xf32, #tpu.memory_space<hbm>>
        tpu.wait_indirect_dma semaphore(%arg18 : memref<!tpu.dma_semaphore, #tpu.memory_space<semaphore_mem>>) src(%dma_wait3A_86 : memref<10000x128xf32, #tpu.memory_space<hbm>>) dst(%arg11 : memref<80x128xf32, #tpu.memory_space<vmem>>)
        %dma_wait3A_87 = arith.constant 0 : i32
        %dma_wait3A_88 = tpu.memref_slice %arg8[%add3A_80, %dma_wait3A_87] : memref<125x80xi32, #tpu.memory_space<vmem>> -> memref<1x80xi32, #tpu.memory_space<vmem>>
        %dma_wait3A_89 = tpu.memref_squeeze %dma_wait3A_88 : memref<1x80xi32, #tpu.memory_space<vmem>> -> memref<80xi32, #tpu.memory_space<vmem>>
        %dma_wait3A_90 = arith.constant 0 : i32
        %dma_wait3A_91 = arith.constant 0 : i32
        %dma_wait3A_92 = tpu.memref_slice %arg2[%dma_wait3A_90, %dma_wait3A_91] : memref<10000x128xf32, #tpu.memory_space<hbm>> -> memref<10000x128xf32, #tpu.memory_space<hbm>>
        tpu.wait_indirect_dma semaphore(%arg19 : memref<!tpu.dma_semaphore, #tpu.memory_space<semaphore_mem>>) src(%dma_wait3A_92 : memref<10000x128xf32, #tpu.memory_space<hbm>>) dst(%arg12 : memref<80x128xf32, #tpu.memory_space<vmem>>)
        %add3A_93 = arith.constant 2 : i32
        %add3A_94 = arith.addi %mul3A_40, %add3A_93 : i32
        %lt3A_95 = arith.constant 125 : i32
        %lt3A_96 = arith.cmpi slt, %add3A_94, %lt3A_95 : i32
        %convert_element_type3A_97 = arith.extui %lt3A_96 : i1 to i32
        %cond3A_98 = arith.constant 0 : i32
        %cond3A_99 = arith.cmpi ne, %convert_element_type3A_97, %cond3A_98 : i32
        scf.if %cond3A_99 {
          %add3A_116 = arith.constant 2 : i32
          %add3A_117 = arith.addi %mul3A_40, %add3A_116 : i32
          %dma_start3A_118 = arith.constant 0 : i32
          %dma_start3A_119 = tpu.memref_slice %arg7[%add3A_117, %dma_start3A_118] : memref<125x80xi32, #tpu.memory_space<vmem>> -> memref<1x80xi32, #tpu.memory_space<vmem>>
          %dma_start3A_120 = tpu.memref_squeeze %dma_start3A_119 : memref<1x80xi32, #tpu.memory_space<vmem>> -> memref<80xi32, #tpu.memory_space<vmem>>
          %dma_start3A_121 = arith.constant 0 : i32
          %dma_start3A_122 = arith.constant 0 : i32
          %dma_start3A_123 = tpu.memref_slice %arg2[%dma_start3A_121, %dma_start3A_122] : memref<10000x128xf32, #tpu.memory_space<hbm>> -> memref<10000x128xf32, #tpu.memory_space<hbm>>
          tpu.enqueue_indirect_dma source(%dma_start3A_123 : memref<10000x128xf32, #tpu.memory_space<hbm>>) target(%arg9 : memref<80x128xf32, #tpu.memory_space<vmem>>) offsets(%dma_start3A_120 : memref<80xi32, #tpu.memory_space<vmem>>) semaphore(%arg16 : memref<!tpu.dma_semaphore, #tpu.memory_space<semaphore_mem>>)
          %dma_start3A_124 = arith.constant 0 : i32
          %dma_start3A_125 = tpu.memref_slice %arg8[%add3A_117, %dma_start3A_124] : memref<125x80xi32, #tpu.memory_space<vmem>> -> memref<1x80xi32, #tpu.memory_space<vmem>>
          %dma_start3A_126 = tpu.memref_squeeze %dma_start3A_125 : memref<1x80xi32, #tpu.memory_space<vmem>> -> memref<80xi32, #tpu.memory_space<vmem>>
          %dma_start3A_127 = arith.constant 0 : i32
          %dma_start3A_128 = arith.constant 0 : i32
          %dma_start3A_129 = tpu.memref_slice %arg2[%dma_start3A_127, %dma_start3A_128] : memref<10000x128xf32, #tpu.memory_space<hbm>> -> memref<10000x128xf32, #tpu.memory_space<hbm>>
          tpu.enqueue_indirect_dma source(%dma_start3A_129 : memref<10000x128xf32, #tpu.memory_space<hbm>>) target(%arg10 : memref<80x128xf32, #tpu.memory_space<vmem>>) offsets(%dma_start3A_126 : memref<80xi32, #tpu.memory_space<vmem>>) semaphore(%arg17 : memref<!tpu.dma_semaphore, #tpu.memory_space<semaphore_mem>>)
        } else {
        }
        %add3A_100 = arith.constant 1 : i32
        %add3A_101 = arith.addi %mul3A_40, %add3A_100 : i32
        %scan3A_102 = arith.constant 0 : i32
        %scan3A_103 = arith.constant 0 : i32
        %scan3A_104 = arith.constant 5 : i32
        %scan3A_105 = arith.addi %scan3A_103, %scan3A_104 : i32
        %scan3A_106 = arith.constant 1 : i32
        scf.for %scan3A_116 = %scan3A_103 to %scan3A_105 step %scan3A_106  : i32 {
          %mul3A_117 = arith.constant 16 : i32
          %mul3A_118 = arith.muli %scan3A_116, %mul3A_117 : i32
          %add3A_119 = vector.broadcast %mul3A_118 : i32 to vector<16xi32>
          %add3A_120 = arith.addi %add3A_119, %iota3A : vector<16xi32>
          %broadcast_in_dim3A = arith.constant 0.000000e+00 : f32
          %broadcast_in_dim3A_121 = vector.broadcast %broadcast_in_dim3A : f32 to vector<16xf32>
          %scan3A_122 = arith.constant 0 : i32
          %scan3A_123 = arith.constant 128 : i32
          %scan3A_124 = arith.addi %scan3A_122, %scan3A_123 : i32
          %scan3A_125 = arith.constant 8 : i32
          %scan3A_126 = scf.for %scan3A_134 = %scan3A_122 to %scan3A_124 step %scan3A_125 iter_args(%scan3A_135 = %broadcast_in_dim3A_121) -> (vector<16xf32>)  : i32 {
            %broadcast_in_dim3A_136 = vector.broadcast %scan3A_134 : i32 to vector<16xi32>
            %gather3A = tpu.vector_load_idx %arg11[%add3A_120, %broadcast_in_dim3A_136] : memref<80x128xf32, #tpu.memory_space<vmem>>[vector<16xi32>, vector<16xi32>], vector<16xf32>,
            %gather3A_137 = tpu.vector_load_idx %arg12[%add3A_120, %broadcast_in_dim3A_136] : memref<80x128xf32, #tpu.memory_space<vmem>>[vector<16xi32>, vector<16xi32>], vector<16xf32>,
            %mul3A_138 = arith.mulf %gather3A, %gather3A_137 : vector<16xf32>
            %add3A_139 = arith.addf %scan3A_135, %mul3A_138 : vector<16xf32>
            %scan3A_140 = arith.constant 1 : i32
            %scan3A_141 = arith.addi %scan3A_134, %scan3A_140 : i32
            %broadcast_in_dim3A_142 = vector.broadcast %scan3A_141 : i32 to vector<16xi32>
            %gather3A_143 = tpu.vector_load_idx %arg11[%add3A_120, %broadcast_in_dim3A_142] : memref<80x128xf32, #tpu.memory_space<vmem>>[vector<16xi32>, vector<16xi32>], vector<16xf32>,
            %gather3A_144 = tpu.vector_load_idx %arg12[%add3A_120, %broadcast_in_dim3A_142] : memref<80x128xf32, #tpu.memory_space<vmem>>[vector<16xi32>, vector<16xi32>], vector<16xf32>,
            %mul3A_145 = arith.mulf %gather3A_143, %gather3A_144 : vector<16xf32>
            %add3A_146 = arith.addf %add3A_139, %mul3A_145 : vector<16xf32>
            %scan3A_147 = arith.constant 2 : i32
            %scan3A_148 = arith.addi %scan3A_134, %scan3A_147 : i32
            %broadcast_in_dim3A_149 = vector.broadcast %scan3A_148 : i32 to vector<16xi32>
            %gather3A_150 = tpu.vector_load_idx %arg11[%add3A_120, %broadcast_in_dim3A_149] : memref<80x128xf32, #tpu.memory_space<vmem>>[vector<16xi32>, vector<16xi32>], vector<16xf32>,
            %gather3A_151 = tpu.vector_load_idx %arg12[%add3A_120, %broadcast_in_dim3A_149] : memref<80x128xf32, #tpu.memory_space<vmem>>[vector<16xi32>, vector<16xi32>], vector<16xf32>,
            %mul3A_152 = arith.mulf %gather3A_150, %gather3A_151 : vector<16xf32>
            %add3A_153 = arith.addf %add3A_146, %mul3A_152 : vector<16xf32>
            %scan3A_154 = arith.constant 3 : i32
            %scan3A_155 = arith.addi %scan3A_134, %scan3A_154 : i32
            %broadcast_in_dim3A_156 = vector.broadcast %scan3A_155 : i32 to vector<16xi32>
            %gather3A_157 = tpu.vector_load_idx %arg11[%add3A_120, %broadcast_in_dim3A_156] : memref<80x128xf32, #tpu.memory_space<vmem>>[vector<16xi32>, vector<16xi32>], vector<16xf32>,
            %gather3A_158 = tpu.vector_load_idx %arg12[%add3A_120, %broadcast_in_dim3A_156] : memref<80x128xf32, #tpu.memory_space<vmem>>[vector<16xi32>, vector<16xi32>], vector<16xf32>,
            %mul3A_159 = arith.mulf %gather3A_157, %gather3A_158 : vector<16xf32>
            %add3A_160 = arith.addf %add3A_153, %mul3A_159 : vector<16xf32>
            %scan3A_161 = arith.constant 4 : i32
            %scan3A_162 = arith.addi %scan3A_134, %scan3A_161 : i32
            %broadcast_in_dim3A_163 = vector.broadcast %scan3A_162 : i32 to vector<16xi32>
            %gather3A_164 = tpu.vector_load_idx %arg11[%add3A_120, %broadcast_in_dim3A_163] : memref<80x128xf32, #tpu.memory_space<vmem>>[vector<16xi32>, vector<16xi32>], vector<16xf32>,
            %gather3A_165 = tpu.vector_load_idx %arg12[%add3A_120, %broadcast_in_dim3A_163] : memref<80x128xf32, #tpu.memory_space<vmem>>[vector<16xi32>, vector<16xi32>], vector<16xf32>,
            %mul3A_166 = arith.mulf %gather3A_164, %gather3A_165 : vector<16xf32>
            %add3A_167 = arith.addf %add3A_160, %mul3A_166 : vector<16xf32>
            %scan3A_168 = arith.constant 5 : i32
            %scan3A_169 = arith.addi %scan3A_134, %scan3A_168 : i32
            %broadcast_in_dim3A_170 = vector.broadcast %scan3A_169 : i32 to vector<16xi32>
            %gather3A_171 = tpu.vector_load_idx %arg11[%add3A_120, %broadcast_in_dim3A_170] : memref<80x128xf32, #tpu.memory_space<vmem>>[vector<16xi32>, vector<16xi32>], vector<16xf32>,
            %gather3A_172 = tpu.vector_load_idx %arg12[%add3A_120, %broadcast_in_dim3A_170] : memref<80x128xf32, #tpu.memory_space<vmem>>[vector<16xi32>, vector<16xi32>], vector<16xf32>,
            %mul3A_173 = arith.mulf %gather3A_171, %gather3A_172 : vector<16xf32>
            %add3A_174 = arith.addf %add3A_167, %mul3A_173 : vector<16xf32>
            %scan3A_175 = arith.constant 6 : i32
            %scan3A_176 = arith.addi %scan3A_134, %scan3A_175 : i32
            %broadcast_in_dim3A_177 = vector.broadcast %scan3A_176 : i32 to vector<16xi32>
            %gather3A_178 = tpu.vector_load_idx %arg11[%add3A_120, %broadcast_in_dim3A_177] : memref<80x128xf32, #tpu.memory_space<vmem>>[vector<16xi32>, vector<16xi32>], vector<16xf32>,
            %gather3A_179 = tpu.vector_load_idx %arg12[%add3A_120, %broadcast_in_dim3A_177] : memref<80x128xf32, #tpu.memory_space<vmem>>[vector<16xi32>, vector<16xi32>], vector<16xf32>,
            %mul3A_180 = arith.mulf %gather3A_178, %gather3A_179 : vector<16xf32>
            %add3A_181 = arith.addf %add3A_174, %mul3A_180 : vector<16xf32>
            %scan3A_182 = arith.constant 7 : i32
            %scan3A_183 = arith.addi %scan3A_134, %scan3A_182 : i32
            %broadcast_in_dim3A_184 = vector.broadcast %scan3A_183 : i32 to vector<16xi32>
            %gather3A_185 = tpu.vector_load_idx %arg11[%add3A_120, %broadcast_in_dim3A_184] : memref<80x128xf32, #tpu.memory_space<vmem>>[vector<16xi32>, vector<16xi32>], vector<16xf32>,
            %gather3A_186 = tpu.vector_load_idx %arg12[%add3A_120, %broadcast_in_dim3A_184] : memref<80x128xf32, #tpu.memory_space<vmem>>[vector<16xi32>, vector<16xi32>], vector<16xf32>,
            %mul3A_187 = arith.mulf %gather3A_185, %gather3A_186 : vector<16xf32>
            %add3A_188 = arith.addf %add3A_181, %mul3A_187 : vector<16xf32>
            scf.yield %add3A_188 : vector<16xf32>
          }
          %scan3A_127 = arith.constant 128 : i32
          %exp3A = math.exp %scan3A_126 : vector<16xf32>
          %mul3A_128 = arith.constant 80 : i32
          %mul3A_129 = arith.muli %add3A_101, %mul3A_128 : i32
          %mul3A_130 = arith.constant 16 : i32
          %mul3A_131 = arith.muli %scan3A_116, %mul3A_130 : i32
          %add3A_132 = arith.addi %mul3A_129, %mul3A_131 : i32
          %swap3A = arith.index_cast %add3A_132 : i32 to index
          %swap3A_133 = tpu.vector_load %arg13[%swap3A] {strides = array<i32>} : memref<10000xf32, #tpu.memory_space<vmem>>, vector<16xf32>,
          tpu.vector_store %arg13[%swap3A], %exp3A {strides = array<i32>} : memref<10000xf32, #tpu.memory_space<vmem>>, vector<16xf32>,
        }
        %scan3A_107 = arith.constant 5 : i32
        %mul3A_108 = arith.constant 80 : i32
        %mul3A_109 = arith.muli %add3A_101, %mul3A_108 : i32
        %dma_start3A_110 = tpu.memref_slice %arg13[%mul3A_109] : memref<10000xf32, #tpu.memory_space<vmem>> -> memref<80xf32, #tpu.memory_space<vmem>>
        %dma_start3A_111 = arith.constant 0 : i32
        %dma_start3A_112 = tpu.memref_slice %arg8[%add3A_101, %dma_start3A_111] : memref<125x80xi32, #tpu.memory_space<vmem>> -> memref<1x80xi32, #tpu.memory_space<vmem>>
        %dma_start3A_113 = tpu.memref_squeeze %dma_start3A_112 : memref<1x80xi32, #tpu.memory_space<vmem>> -> memref<80xi32, #tpu.memory_space<vmem>>
        %dma_start3A_114 = arith.constant 0 : i32
        %dma_start3A_115 = tpu.memref_slice %arg15[%dma_start3A_114] : memref<10240xf32, #tpu.memory_space<vmem_shared>> -> memref<10240xf32, #tpu.memory_space<vmem_shared>>
        tpu.enqueue_indirect_dma source(%dma_start3A_110 : memref<80xf32, #tpu.memory_space<vmem>>) target(%dma_start3A_115 : memref<10240xf32, #tpu.memory_space<vmem_shared>>) offsets(%dma_start3A_113 : memref<80xi32, #tpu.memory_space<vmem>>) semaphore(%arg20 : memref<!tpu.dma_semaphore, #tpu.memory_space<semaphore_mem>>) {add = true}
      } else {
      }
    }
    %scan3A_26 = arith.constant 63 : i32
    %mul3A_27 = arith.constant 10000 : i32
    %mul3A_28 = arith.muli %add3A, %mul3A_27 : i32
    "tpu.region"() ({
      %run_scoped3A = tpu.sem_alloc : memref<!tpu.dma_semaphore, #tpu.memory_space<semaphore_mem>>
      %dma_start3A_38 = tpu.memref_slice %arg5[%mul3A_28] : memref<320000xf32, #tpu.memory_space<hbm>> -> memref<10000xf32, #tpu.memory_space<hbm>>
      %dma_start3A_39 = tpu.memref_slice %arg5[%mul3A_28] : memref<320000xf32, #tpu.memory_space<hbm>> -> memref<10000xf32, #tpu.memory_space<hbm>>
      tpu.enqueue_dma source(%arg13 : memref<10000xf32, #tpu.memory_space<vmem>>) target(%dma_start3A_39 : memref<10000xf32, #tpu.memory_space<hbm>>) target_semaphore(%run_scoped3A : memref<!tpu.dma_semaphore, #tpu.memory_space<semaphore_mem>>)
      %dma_wait3A = tpu.memref_slice %arg5[%mul3A_28] : memref<320000xf32, #tpu.memory_space<hbm>> -> memref<10000xf32, #tpu.memory_space<hbm>>
      %dma_wait3A_40 = tpu.memref_slice %arg5[%mul3A_28] : memref<320000xf32, #tpu.memory_space<hbm>> -> memref<10000xf32, #tpu.memory_space<hbm>>
      tpu.wait_dma2 semaphore(%run_scoped3A : memref<!tpu.dma_semaphore, #tpu.memory_space<semaphore_mem>>) src(%arg13 : memref<10000xf32, #tpu.memory_space<vmem>>) dst(%dma_wait3A_40 : memref<10000xf32, #tpu.memory_space<hbm>>)
      tpu.yield
    }) : () -> ()
    %scan3A_29 = arith.constant 0 : i32
    %scan3A_30 = arith.constant 0 : i32
    %scan3A_31 = arith.constant 125 : i32
    %scan3A_32 = arith.addi %scan3A_30, %scan3A_31 : i32
    %scan3A_33 = arith.constant 1 : i32
    scf.for %scan3A_38 = %scan3A_30 to %scan3A_32 step %scan3A_33  : i32 {
      %mul3A_39 = arith.constant 80 : i32
      %mul3A_40 = arith.muli %scan3A_38, %mul3A_39 : i32
      %dma_wait3A = tpu.memref_slice %arg13[%mul3A_40] : memref<10000xf32, #tpu.memory_space<vmem>> -> memref<80xf32, #tpu.memory_space<vmem>>
      %dma_wait3A_41 = arith.constant 0 : i32
      %dma_wait3A_42 = tpu.memref_slice %arg8[%scan3A_38, %dma_wait3A_41] : memref<125x80xi32, #tpu.memory_space<vmem>> -> memref<1x80xi32, #tpu.memory_space<vmem>>
      %dma_wait3A_43 = tpu.memref_squeeze %dma_wait3A_42 : memref<1x80xi32, #tpu.memory_space<vmem>> -> memref<80xi32, #tpu.memory_space<vmem>>
      %dma_wait3A_44 = arith.constant 0 : i32
      %dma_wait3A_45 = tpu.memref_slice %arg15[%dma_wait3A_44] : memref<10240xf32, #tpu.memory_space<vmem_shared>> -> memref<10240xf32, #tpu.memory_space<vmem_shared>>
      tpu.wait_indirect_dma semaphore(%arg20 : memref<!tpu.dma_semaphore, #tpu.memory_space<semaphore_mem>>) src(%dma_wait3A : memref<80xf32, #tpu.memory_space<vmem>>) dst(%dma_wait3A_45 : memref<10240xf32, #tpu.memory_space<vmem_shared>>)
    }
    %scan3A_34 = arith.constant 125 : i32
    %barrier3A_35 = arith.constant 0 : index
    tpu.barrier barrier_id(%barrier3A_35)
    %eq3A = arith.constant 0 : i32
    %eq3A_36 = arith.cmpi eq, %arg1, %eq3A : i32
    %convert_element_type3A = arith.extui %eq3A_36 : i1 to i32
    %cond3A = arith.constant 0 : i32
    %cond3A_37 = arith.cmpi ne, %convert_element_type3A, %cond3A : i32
    scf.if %cond3A_37 {
      "tpu.region"() ({
        %run_scoped3A = tpu.sem_alloc : memref<!tpu.dma_semaphore, #tpu.memory_space<semaphore_mem>>
        %dma_start3A_38 = arith.constant 0 : i32
        %dma_start3A_39 = tpu.memref_slice %arg6[%arg0, %dma_start3A_38] : memref<2x10000xf32, #tpu.memory_space<hbm>> -> memref<1x10000xf32, #tpu.memory_space<hbm>>
        %dma_start3A_40 = tpu.memref_squeeze %dma_start3A_39 : memref<1x10000xf32, #tpu.memory_space<hbm>> -> memref<10000xf32, #tpu.memory_space<hbm>>
        %dma_start3A_41 = arith.constant 0 : i32
        %dma_start3A_42 = tpu.memref_slice %arg15[%dma_start3A_41] : memref<10240xf32, #tpu.memory_space<vmem_shared>> -> memref<10000xf32, #tpu.memory_space<vmem_shared>>
        tpu.enqueue_dma source(%dma_start3A_42 : memref<10000xf32, #tpu.memory_space<vmem_shared>>) target(%dma_start3A_40 : memref<10000xf32, #tpu.memory_space<hbm>>) target_semaphore(%run_scoped3A : memref<!tpu.dma_semaphore, #tpu.memory_space<semaphore_mem>>)
        %dma_wait3A = arith.constant 0 : i32
        %dma_wait3A_43 = tpu.memref_slice %arg6[%arg0, %dma_wait3A] : memref<2x10000xf32, #tpu.memory_space<hbm>> -> memref<1x10000xf32, #tpu.memory_space<hbm>>
        %dma_wait3A_44 = tpu.memref_squeeze %dma_wait3A_43 : memref<1x10000xf32, #tpu.memory_space<hbm>> -> memref<10000xf32, #tpu.memory_space<hbm>>
        %dma_wait3A_45 = arith.constant 0 : i32
        %dma_wait3A_46 = tpu.memref_slice %arg15[%dma_wait3A_45] : memref<10240xf32, #tpu.memory_space<vmem_shared>> -> memref<10000xf32, #tpu.memory_space<vmem_shared>>
        tpu.wait_dma2 semaphore(%run_scoped3A : memref<!tpu.dma_semaphore, #tpu.memory_space<semaphore_mem>>) src(%dma_wait3A_46 : memref<10000xf32, #tpu.memory_space<vmem_shared>>) dst(%dma_wait3A_44 : memref<10000xf32, #tpu.memory_space<hbm>>)
        tpu.yield
      }) : () -> ()
    } else {
    }
    return
  }
}

#map = affine_map<(d0, d1) -> (0)>
#map1 = affine_map<(d0, d1) -> (0, 0)>
#map2 = affine_map<(d0, d1) -> (0, 0, 0)>
module attributes {stable_mosaic.version = 14 : i64} {
  func.func @k3(%arg0: i32, %arg1: i32, %arg2: memref<320000xf32, #tpu.memory_space<hbm>>, %arg3: memref<2x10000xf32, #tpu.memory_space<hbm>>, %arg4: memref<32x125x80xi32, #tpu.memory_space<hbm>>, %arg5: memref<32x125x80xi32, #tpu.memory_space<hbm>>, %arg6: memref<10000x64xf32, #tpu.memory_space<hbm>>, %arg7: memref<320000xf32, #tpu.memory_space<hbm>>, %arg8: memref<2x10000x64xf32, #tpu.memory_space<hbm>>, %arg9: memref<125x80xi32, #tpu.memory_space<vmem>>, %arg10: memref<125x80xi32, #tpu.memory_space<vmem>>, %arg11: memref<10000xf32, #tpu.memory_space<vmem>>, %arg12: memref<10000xf32, #tpu.memory_space<vmem>>, %arg13: memref<80x64xf32, #tpu.memory_space<vmem>>, %arg14: memref<80x64xf32, #tpu.memory_space<vmem>>, %arg15: memref<10000xf32, #tpu.memory_space<vmem>>, %arg16: memref<10000xf32, #tpu.memory_space<vmem>>, %arg17: memref<125x64xf32, #tpu.memory_space<vmem>>, %arg18: memref<10000x64xf32, #tpu.memory_space<vmem_shared>>, %arg19: memref<!tpu.dma_semaphore, #tpu.memory_space<semaphore_mem>>, %arg20: memref<!tpu.dma_semaphore, #tpu.memory_space<semaphore_mem>>, %arg21: memref<!tpu.dma_semaphore, #tpu.memory_space<semaphore_mem>>, %arg22: memref<!tpu.dma_semaphore, #tpu.memory_space<semaphore_mem>>) attributes {dimension_semantics = [#tpu.dimension_semantics<core_parallel>, #tpu.dimension_semantics<subcore_parallel>], iteration_bounds = array<i64: 2, 16>, scalar_prefetch = 0 : i64, scratch_operands = 14 : i64, tpu.core_type = #tpu.core_type<sc_vector_subcore>, window_params = [{transform_indices = #map}, {transform_indices = #map1}, {transform_indices = #map2}, {transform_indices = #map2}, {transform_indices = #map1}, {transform_indices = #map}, {transform_indices = #map2}]} {
    %mul3A = arith.constant 2 : i32
    %mul3A_0 = arith.muli %arg1, %mul3A : i32
    %add3A = arith.addi %mul3A_0, %arg0 : i32
    %run_scoped3A = arith.constant 0 : i32
    "tpu.region"() ({
      %run_scoped3A_67 = tpu.sem_alloc : memref<!tpu.dma_semaphore, #tpu.memory_space<semaphore_mem>>
      %dma_start3A_68 = arith.constant 0 : i32
      %dma_start3A_69 = tpu.memref_slice %arg3[%run_scoped3A, %dma_start3A_68] : memref<2x10000xf32, #tpu.memory_space<hbm>> -> memref<1x10000xf32, #tpu.memory_space<hbm>>
      %dma_start3A_70 = tpu.memref_squeeze %dma_start3A_69 : memref<1x10000xf32, #tpu.memory_space<hbm>> -> memref<10000xf32, #tpu.memory_space<hbm>>
      %dma_start3A_71 = arith.constant 0 : i32
      %dma_start3A_72 = tpu.memref_slice %arg3[%run_scoped3A, %dma_start3A_71] : memref<2x10000xf32, #tpu.memory_space<hbm>> -> memref<1x10000xf32, #tpu.memory_space<hbm>>
      %dma_start3A_73 = tpu.memref_squeeze %dma_start3A_72 : memref<1x10000xf32, #tpu.memory_space<hbm>> -> memref<10000xf32, #tpu.memory_space<hbm>>
      tpu.enqueue_dma source(%dma_start3A_73 : memref<10000xf32, #tpu.memory_space<hbm>>) target(%arg15 : memref<10000xf32, #tpu.memory_space<vmem>>) target_semaphore(%run_scoped3A_67 : memref<!tpu.dma_semaphore, #tpu.memory_space<semaphore_mem>>)
      %dma_wait3A_74 = arith.constant 0 : i32
      %dma_wait3A_75 = tpu.memref_slice %arg3[%run_scoped3A, %dma_wait3A_74] : memref<2x10000xf32, #tpu.memory_space<hbm>> -> memref<1x10000xf32, #tpu.memory_space<hbm>>
      %dma_wait3A_76 = tpu.memref_squeeze %dma_wait3A_75 : memref<1x10000xf32, #tpu.memory_space<hbm>> -> memref<10000xf32, #tpu.memory_space<hbm>>
      %dma_wait3A_77 = arith.constant 0 : i32
      %dma_wait3A_78 = tpu.memref_slice %arg3[%run_scoped3A, %dma_wait3A_77] : memref<2x10000xf32, #tpu.memory_space<hbm>> -> memref<1x10000xf32, #tpu.memory_space<hbm>>
      %dma_wait3A_79 = tpu.memref_squeeze %dma_wait3A_78 : memref<1x10000xf32, #tpu.memory_space<hbm>> -> memref<10000xf32, #tpu.memory_space<hbm>>
      tpu.wait_dma2 semaphore(%run_scoped3A_67 : memref<!tpu.dma_semaphore, #tpu.memory_space<semaphore_mem>>) src(%dma_wait3A_79 : memref<10000xf32, #tpu.memory_space<hbm>>) dst(%arg15 : memref<10000xf32, #tpu.memory_space<vmem>>)
      tpu.yield
    }) : () -> ()
    %run_scoped3A_1 = arith.constant 1 : i32
    "tpu.region"() ({
      %run_scoped3A_67 = tpu.sem_alloc : memref<!tpu.dma_semaphore, #tpu.memory_space<semaphore_mem>>
      %dma_start3A_68 = arith.constant 0 : i32
      %dma_start3A_69 = tpu.memref_slice %arg3[%run_scoped3A_1, %dma_start3A_68] : memref<2x10000xf32, #tpu.memory_space<hbm>> -> memref<1x10000xf32, #tpu.memory_space<hbm>>
      %dma_start3A_70 = tpu.memref_squeeze %dma_start3A_69 : memref<1x10000xf32, #tpu.memory_space<hbm>> -> memref<10000xf32, #tpu.memory_space<hbm>>
      %dma_start3A_71 = arith.constant 0 : i32
      %dma_start3A_72 = tpu.memref_slice %arg3[%run_scoped3A_1, %dma_start3A_71] : memref<2x10000xf32, #tpu.memory_space<hbm>> -> memref<1x10000xf32, #tpu.memory_space<hbm>>
      %dma_start3A_73 = tpu.memref_squeeze %dma_start3A_72 : memref<1x10000xf32, #tpu.memory_space<hbm>> -> memref<10000xf32, #tpu.memory_space<hbm>>
      tpu.enqueue_dma source(%dma_start3A_73 : memref<10000xf32, #tpu.memory_space<hbm>>) target(%arg16 : memref<10000xf32, #tpu.memory_space<vmem>>) target_semaphore(%run_scoped3A_67 : memref<!tpu.dma_semaphore, #tpu.memory_space<semaphore_mem>>)
      %dma_wait3A_74 = arith.constant 0 : i32
      %dma_wait3A_75 = tpu.memref_slice %arg3[%run_scoped3A_1, %dma_wait3A_74] : memref<2x10000xf32, #tpu.memory_space<hbm>> -> memref<1x10000xf32, #tpu.memory_space<hbm>>
      %dma_wait3A_76 = tpu.memref_squeeze %dma_wait3A_75 : memref<1x10000xf32, #tpu.memory_space<hbm>> -> memref<10000xf32, #tpu.memory_space<hbm>>
      %dma_wait3A_77 = arith.constant 0 : i32
      %dma_wait3A_78 = tpu.memref_slice %arg3[%run_scoped3A_1, %dma_wait3A_77] : memref<2x10000xf32, #tpu.memory_space<hbm>> -> memref<1x10000xf32, #tpu.memory_space<hbm>>
      %dma_wait3A_79 = tpu.memref_squeeze %dma_wait3A_78 : memref<1x10000xf32, #tpu.memory_space<hbm>> -> memref<10000xf32, #tpu.memory_space<hbm>>
      tpu.wait_dma2 semaphore(%run_scoped3A_67 : memref<!tpu.dma_semaphore, #tpu.memory_space<semaphore_mem>>) src(%dma_wait3A_79 : memref<10000xf32, #tpu.memory_space<hbm>>) dst(%arg16 : memref<10000xf32, #tpu.memory_space<vmem>>)
      tpu.yield
    }) : () -> ()
    %scan3A = arith.constant 0 : i32
    %scan3A_2 = arith.constant 0 : i32
    %scan3A_3 = arith.constant 625 : i32
    %scan3A_4 = arith.addi %scan3A_2, %scan3A_3 : i32
    %scan3A_5 = arith.constant 1 : i32
    scf.for %scan3A_67 = %scan3A_2 to %scan3A_4 step %scan3A_5  : i32 {
      %mul3A_68 = arith.constant 16 : i32
      %mul3A_69 = arith.muli %scan3A_67, %mul3A_68 : i32
      %get3A = arith.index_cast %mul3A_69 : i32 to index
      %get3A_70 = tpu.vector_load %arg15[%get3A] {strides = array<i32>} : memref<10000xf32, #tpu.memory_space<vmem>>, vector<16xf32>,
      %mul3A_71 = arith.constant 16 : i32
      %mul3A_72 = arith.muli %scan3A_67, %mul3A_71 : i32
      %get3A_73 = arith.index_cast %mul3A_72 : i32 to index
      %get3A_74 = tpu.vector_load %arg16[%get3A_73] {strides = array<i32>} : memref<10000xf32, #tpu.memory_space<vmem>>, vector<16xf32>,
      %add3A_75 = arith.addf %get3A_70, %get3A_74 : vector<16xf32>
      %mul3A_76 = arith.constant 16 : i32
      %mul3A_77 = arith.muli %scan3A_67, %mul3A_76 : i32
      %swap3A = arith.index_cast %mul3A_77 : i32 to index
      %swap3A_78 = tpu.vector_load %arg15[%swap3A] {strides = array<i32>} : memref<10000xf32, #tpu.memory_space<vmem>>, vector<16xf32>,
      tpu.vector_store %arg15[%swap3A], %add3A_75 {strides = array<i32>} : memref<10000xf32, #tpu.memory_space<vmem>>, vector<16xf32>,
    }
    %scan3A_6 = arith.constant 625 : i32
    %scan3A_7 = arith.constant 0 : i32
    %scan3A_8 = arith.constant 0 : i32
    %scan3A_9 = arith.constant 125 : i32
    %scan3A_10 = arith.addi %scan3A_8, %scan3A_9 : i32
    %scan3A_11 = arith.constant 1 : i32
    scf.for %scan3A_67 = %scan3A_8 to %scan3A_10 step %scan3A_11  : i32 {
      %broadcast_in_dim3A = arith.constant 0.000000e+00 : f32
      %broadcast_in_dim3A_68 = vector.broadcast %broadcast_in_dim3A : f32 to vector<16xf32>
      %swap3A = arith.index_cast %scan3A_67 : i32 to index
      %swap3A_69 = arith.constant 0 : index
      %swap3A_70 = tpu.vector_load %arg17[%swap3A, %swap3A_69] {strides = array<i32>} : memref<125x64xf32, #tpu.memory_space<vmem>>, vector<16xf32>,
      tpu.vector_store %arg17[%swap3A, %swap3A_69], %broadcast_in_dim3A_68 {strides = array<i32>} : memref<125x64xf32, #tpu.memory_space<vmem>>, vector<16xf32>,
      %broadcast_in_dim3A_71 = arith.constant 0.000000e+00 : f32
      %broadcast_in_dim3A_72 = vector.broadcast %broadcast_in_dim3A_71 : f32 to vector<16xf32>
      %swap3A_73 = arith.index_cast %scan3A_67 : i32 to index
      %swap3A_74 = arith.constant 16 : index
      %swap3A_75 = tpu.vector_load %arg17[%swap3A_73, %swap3A_74] {strides = array<i32>} : memref<125x64xf32, #tpu.memory_space<vmem>>, vector<16xf32>,
      tpu.vector_store %arg17[%swap3A_73, %swap3A_74], %broadcast_in_dim3A_72 {strides = array<i32>} : memref<125x64xf32, #tpu.memory_space<vmem>>, vector<16xf32>,
      %broadcast_in_dim3A_76 = arith.constant 0.000000e+00 : f32
      %broadcast_in_dim3A_77 = vector.broadcast %broadcast_in_dim3A_76 : f32 to vector<16xf32>
      %swap3A_78 = arith.index_cast %scan3A_67 : i32 to index
      %swap3A_79 = arith.constant 32 : index
      %swap3A_80 = tpu.vector_load %arg17[%swap3A_78, %swap3A_79] {strides = array<i32>} : memref<125x64xf32, #tpu.memory_space<vmem>>, vector<16xf32>,
      tpu.vector_store %arg17[%swap3A_78, %swap3A_79], %broadcast_in_dim3A_77 {strides = array<i32>} : memref<125x64xf32, #tpu.memory_space<vmem>>, vector<16xf32>,
      %broadcast_in_dim3A_81 = arith.constant 0.000000e+00 : f32
      %broadcast_in_dim3A_82 = vector.broadcast %broadcast_in_dim3A_81 : f32 to vector<16xf32>
      %swap3A_83 = arith.index_cast %scan3A_67 : i32 to index
      %swap3A_84 = arith.constant 48 : index
      %swap3A_85 = tpu.vector_load %arg17[%swap3A_83, %swap3A_84] {strides = array<i32>} : memref<125x64xf32, #tpu.memory_space<vmem>>, vector<16xf32>,
      tpu.vector_store %arg17[%swap3A_83, %swap3A_84], %broadcast_in_dim3A_82 {strides = array<i32>} : memref<125x64xf32, #tpu.memory_space<vmem>>, vector<16xf32>,
    }
    %scan3A_12 = arith.constant 125 : i32
    %mul3A_13 = arith.constant 625 : i32
    %mul3A_14 = arith.muli %arg1, %mul3A_13 : i32
    %add3A_15 = arith.constant 0 : i32
    %add3A_16 = arith.addi %mul3A_14, %add3A_15 : i32
    "tpu.region"() ({
      %run_scoped3A_67 = tpu.sem_alloc : memref<!tpu.dma_semaphore, #tpu.memory_space<semaphore_mem>>
      %dma_start3A_68 = arith.constant 0 : i32
      %dma_start3A_69 = tpu.memref_slice %arg18[%add3A_16, %dma_start3A_68] : memref<10000x64xf32, #tpu.memory_space<vmem_shared>> -> memref<125x64xf32, #tpu.memory_space<vmem_shared>>
      %dma_start3A_70 = arith.constant 0 : i32
      %dma_start3A_71 = tpu.memref_slice %arg18[%add3A_16, %dma_start3A_70] : memref<10000x64xf32, #tpu.memory_space<vmem_shared>> -> memref<125x64xf32, #tpu.memory_space<vmem_shared>>
      tpu.enqueue_dma source(%arg17 : memref<125x64xf32, #tpu.memory_space<vmem>>) target(%dma_start3A_71 : memref<125x64xf32, #tpu.memory_space<vmem_shared>>) target_semaphore(%run_scoped3A_67 : memref<!tpu.dma_semaphore, #tpu.memory_space<semaphore_mem>>)
      %dma_wait3A_72 = arith.constant 0 : i32
      %dma_wait3A_73 = tpu.memref_slice %arg18[%add3A_16, %dma_wait3A_72] : memref<10000x64xf32, #tpu.memory_space<vmem_shared>> -> memref<125x64xf32, #tpu.memory_space<vmem_shared>>
      %dma_wait3A_74 = arith.constant 0 : i32
      %dma_wait3A_75 = tpu.memref_slice %arg18[%add3A_16, %dma_wait3A_74] : memref<10000x64xf32, #tpu.memory_space<vmem_shared>> -> memref<125x64xf32, #tpu.memory_space<vmem_shared>>
      tpu.wait_dma2 semaphore(%run_scoped3A_67 : memref<!tpu.dma_semaphore, #tpu.memory_space<semaphore_mem>>) src(%arg17 : memref<125x64xf32, #tpu.memory_space<vmem>>) dst(%dma_wait3A_75 : memref<125x64xf32, #tpu.memory_space<vmem_shared>>)
      tpu.yield
    }) : () -> ()
    %mul3A_17 = arith.constant 625 : i32
    %mul3A_18 = arith.muli %arg1, %mul3A_17 : i32
    %add3A_19 = arith.constant 125 : i32
    %add3A_20 = arith.addi %mul3A_18, %add3A_19 : i32
    "tpu.region"() ({
      %run_scoped3A_67 = tpu.sem_alloc : memref<!tpu.dma_semaphore, #tpu.memory_space<semaphore_mem>>
      %dma_start3A_68 = arith.constant 0 : i32
      %dma_start3A_69 = tpu.memref_slice %arg18[%add3A_20, %dma_start3A_68] : memref<10000x64xf32, #tpu.memory_space<vmem_shared>> -> memref<125x64xf32, #tpu.memory_space<vmem_shared>>
      %dma_start3A_70 = arith.constant 0 : i32
      %dma_start3A_71 = tpu.memref_slice %arg18[%add3A_20, %dma_start3A_70] : memref<10000x64xf32, #tpu.memory_space<vmem_shared>> -> memref<125x64xf32, #tpu.memory_space<vmem_shared>>
      tpu.enqueue_dma source(%arg17 : memref<125x64xf32, #tpu.memory_space<vmem>>) target(%dma_start3A_71 : memref<125x64xf32, #tpu.memory_space<vmem_shared>>) target_semaphore(%run_scoped3A_67 : memref<!tpu.dma_semaphore, #tpu.memory_space<semaphore_mem>>)
      %dma_wait3A_72 = arith.constant 0 : i32
      %dma_wait3A_73 = tpu.memref_slice %arg18[%add3A_20, %dma_wait3A_72] : memref<10000x64xf32, #tpu.memory_space<vmem_shared>> -> memref<125x64xf32, #tpu.memory_space<vmem_shared>>
      %dma_wait3A_74 = arith.constant 0 : i32
      %dma_wait3A_75 = tpu.memref_slice %arg18[%add3A_20, %dma_wait3A_74] : memref<10000x64xf32, #tpu.memory_space<vmem_shared>> -> memref<125x64xf32, #tpu.memory_space<vmem_shared>>
      tpu.wait_dma2 semaphore(%run_scoped3A_67 : memref<!tpu.dma_semaphore, #tpu.memory_space<semaphore_mem>>) src(%arg17 : memref<125x64xf32, #tpu.memory_space<vmem>>) dst(%dma_wait3A_75 : memref<125x64xf32, #tpu.memory_space<vmem_shared>>)
      tpu.yield
    }) : () -> ()
    %mul3A_21 = arith.constant 625 : i32
    %mul3A_22 = arith.muli %arg1, %mul3A_21 : i32
    %add3A_23 = arith.constant 250 : i32
    %add3A_24 = arith.addi %mul3A_22, %add3A_23 : i32
    "tpu.region"() ({
      %run_scoped3A_67 = tpu.sem_alloc : memref<!tpu.dma_semaphore, #tpu.memory_space<semaphore_mem>>
      %dma_start3A_68 = arith.constant 0 : i32
      %dma_start3A_69 = tpu.memref_slice %arg18[%add3A_24, %dma_start3A_68] : memref<10000x64xf32, #tpu.memory_space<vmem_shared>> -> memref<125x64xf32, #tpu.memory_space<vmem_shared>>
      %dma_start3A_70 = arith.constant 0 : i32
      %dma_start3A_71 = tpu.memref_slice %arg18[%add3A_24, %dma_start3A_70] : memref<10000x64xf32, #tpu.memory_space<vmem_shared>> -> memref<125x64xf32, #tpu.memory_space<vmem_shared>>
      tpu.enqueue_dma source(%arg17 : memref<125x64xf32, #tpu.memory_space<vmem>>) target(%dma_start3A_71 : memref<125x64xf32, #tpu.memory_space<vmem_shared>>) target_semaphore(%run_scoped3A_67 : memref<!tpu.dma_semaphore, #tpu.memory_space<semaphore_mem>>)
      %dma_wait3A_72 = arith.constant 0 : i32
      %dma_wait3A_73 = tpu.memref_slice %arg18[%add3A_24, %dma_wait3A_72] : memref<10000x64xf32, #tpu.memory_space<vmem_shared>> -> memref<125x64xf32, #tpu.memory_space<vmem_shared>>
      %dma_wait3A_74 = arith.constant 0 : i32
      %dma_wait3A_75 = tpu.memref_slice %arg18[%add3A_24, %dma_wait3A_74] : memref<10000x64xf32, #tpu.memory_space<vmem_shared>> -> memref<125x64xf32, #tpu.memory_space<vmem_shared>>
      tpu.wait_dma2 semaphore(%run_scoped3A_67 : memref<!tpu.dma_semaphore, #tpu.memory_space<semaphore_mem>>) src(%arg17 : memref<125x64xf32, #tpu.memory_space<vmem>>) dst(%dma_wait3A_75 : memref<125x64xf32, #tpu.memory_space<vmem_shared>>)
      tpu.yield
    }) : () -> ()
    %mul3A_25 = arith.constant 625 : i32
    %mul3A_26 = arith.muli %arg1, %mul3A_25 : i32
    %add3A_27 = arith.constant 375 : i32
    %add3A_28 = arith.addi %mul3A_26, %add3A_27 : i32
    "tpu.region"() ({
      %run_scoped3A_67 = tpu.sem_alloc : memref<!tpu.dma_semaphore, #tpu.memory_space<semaphore_mem>>
      %dma_start3A_68 = arith.constant 0 : i32
      %dma_start3A_69 = tpu.memref_slice %arg18[%add3A_28, %dma_start3A_68] : memref<10000x64xf32, #tpu.memory_space<vmem_shared>> -> memref<125x64xf32, #tpu.memory_space<vmem_shared>>
      %dma_start3A_70 = arith.constant 0 : i32
      %dma_start3A_71 = tpu.memref_slice %arg18[%add3A_28, %dma_start3A_70] : memref<10000x64xf32, #tpu.memory_space<vmem_shared>> -> memref<125x64xf32, #tpu.memory_space<vmem_shared>>
      tpu.enqueue_dma source(%arg17 : memref<125x64xf32, #tpu.memory_space<vmem>>) target(%dma_start3A_71 : memref<125x64xf32, #tpu.memory_space<vmem_shared>>) target_semaphore(%run_scoped3A_67 : memref<!tpu.dma_semaphore, #tpu.memory_space<semaphore_mem>>)
      %dma_wait3A_72 = arith.constant 0 : i32
      %dma_wait3A_73 = tpu.memref_slice %arg18[%add3A_28, %dma_wait3A_72] : memref<10000x64xf32, #tpu.memory_space<vmem_shared>> -> memref<125x64xf32, #tpu.memory_space<vmem_shared>>
      %dma_wait3A_74 = arith.constant 0 : i32
      %dma_wait3A_75 = tpu.memref_slice %arg18[%add3A_28, %dma_wait3A_74] : memref<10000x64xf32, #tpu.memory_space<vmem_shared>> -> memref<125x64xf32, #tpu.memory_space<vmem_shared>>
      tpu.wait_dma2 semaphore(%run_scoped3A_67 : memref<!tpu.dma_semaphore, #tpu.memory_space<semaphore_mem>>) src(%arg17 : memref<125x64xf32, #tpu.memory_space<vmem>>) dst(%dma_wait3A_75 : memref<125x64xf32, #tpu.memory_space<vmem_shared>>)
      tpu.yield
    }) : () -> ()
    %mul3A_29 = arith.constant 625 : i32
    %mul3A_30 = arith.muli %arg1, %mul3A_29 : i32
    %add3A_31 = arith.constant 500 : i32
    %add3A_32 = arith.addi %mul3A_30, %add3A_31 : i32
    "tpu.region"() ({
      %run_scoped3A_67 = tpu.sem_alloc : memref<!tpu.dma_semaphore, #tpu.memory_space<semaphore_mem>>
      %dma_start3A_68 = arith.constant 0 : i32
      %dma_start3A_69 = tpu.memref_slice %arg18[%add3A_32, %dma_start3A_68] : memref<10000x64xf32, #tpu.memory_space<vmem_shared>> -> memref<125x64xf32, #tpu.memory_space<vmem_shared>>
      %dma_start3A_70 = arith.constant 0 : i32
      %dma_start3A_71 = tpu.memref_slice %arg18[%add3A_32, %dma_start3A_70] : memref<10000x64xf32, #tpu.memory_space<vmem_shared>> -> memref<125x64xf32, #tpu.memory_space<vmem_shared>>
      tpu.enqueue_dma source(%arg17 : memref<125x64xf32, #tpu.memory_space<vmem>>) target(%dma_start3A_71 : memref<125x64xf32, #tpu.memory_space<vmem_shared>>) target_semaphore(%run_scoped3A_67 : memref<!tpu.dma_semaphore, #tpu.memory_space<semaphore_mem>>)
      %dma_wait3A_72 = arith.constant 0 : i32
      %dma_wait3A_73 = tpu.memref_slice %arg18[%add3A_32, %dma_wait3A_72] : memref<10000x64xf32, #tpu.memory_space<vmem_shared>> -> memref<125x64xf32, #tpu.memory_space<vmem_shared>>
      %dma_wait3A_74 = arith.constant 0 : i32
      %dma_wait3A_75 = tpu.memref_slice %arg18[%add3A_32, %dma_wait3A_74] : memref<10000x64xf32, #tpu.memory_space<vmem_shared>> -> memref<125x64xf32, #tpu.memory_space<vmem_shared>>
      tpu.wait_dma2 semaphore(%run_scoped3A_67 : memref<!tpu.dma_semaphore, #tpu.memory_space<semaphore_mem>>) src(%arg17 : memref<125x64xf32, #tpu.memory_space<vmem>>) dst(%dma_wait3A_75 : memref<125x64xf32, #tpu.memory_space<vmem_shared>>)
      tpu.yield
    }) : () -> ()
    "tpu.region"() ({
      %run_scoped3A_67 = tpu.sem_alloc : memref<!tpu.dma_semaphore, #tpu.memory_space<semaphore_mem>>
      %dma_start3A_68 = arith.constant 0 : i32
      %dma_start3A_69 = arith.constant 0 : i32
      %dma_start3A_70 = tpu.memref_slice %arg4[%add3A, %dma_start3A_68, %dma_start3A_69] : memref<32x125x80xi32, #tpu.memory_space<hbm>> -> memref<1x125x80xi32, #tpu.memory_space<hbm>>
      %dma_start3A_71 = tpu.memref_squeeze %dma_start3A_70 : memref<1x125x80xi32, #tpu.memory_space<hbm>> -> memref<125x80xi32, #tpu.memory_space<hbm>>
      %dma_start3A_72 = arith.constant 0 : i32
      %dma_start3A_73 = arith.constant 0 : i32
      %dma_start3A_74 = tpu.memref_slice %arg4[%add3A, %dma_start3A_72, %dma_start3A_73] : memref<32x125x80xi32, #tpu.memory_space<hbm>> -> memref<1x125x80xi32, #tpu.memory_space<hbm>>
      %dma_start3A_75 = tpu.memref_squeeze %dma_start3A_74 : memref<1x125x80xi32, #tpu.memory_space<hbm>> -> memref<125x80xi32, #tpu.memory_space<hbm>>
      tpu.enqueue_dma source(%dma_start3A_75 : memref<125x80xi32, #tpu.memory_space<hbm>>) target(%arg9 : memref<125x80xi32, #tpu.memory_space<vmem>>) target_semaphore(%run_scoped3A_67 : memref<!tpu.dma_semaphore, #tpu.memory_space<semaphore_mem>>)
      %dma_wait3A_76 = arith.constant 0 : i32
      %dma_wait3A_77 = arith.constant 0 : i32
      %dma_wait3A_78 = tpu.memref_slice %arg4[%add3A, %dma_wait3A_76, %dma_wait3A_77] : memref<32x125x80xi32, #tpu.memory_space<hbm>> -> memref<1x125x80xi32, #tpu.memory_space<hbm>>
      %dma_wait3A_79 = tpu.memref_squeeze %dma_wait3A_78 : memref<1x125x80xi32, #tpu.memory_space<hbm>> -> memref<125x80xi32, #tpu.memory_space<hbm>>
      %dma_wait3A_80 = arith.constant 0 : i32
      %dma_wait3A_81 = arith.constant 0 : i32
      %dma_wait3A_82 = tpu.memref_slice %arg4[%add3A, %dma_wait3A_80, %dma_wait3A_81] : memref<32x125x80xi32, #tpu.memory_space<hbm>> -> memref<1x125x80xi32, #tpu.memory_space<hbm>>
      %dma_wait3A_83 = tpu.memref_squeeze %dma_wait3A_82 : memref<1x125x80xi32, #tpu.memory_space<hbm>> -> memref<125x80xi32, #tpu.memory_space<hbm>>
      tpu.wait_dma2 semaphore(%run_scoped3A_67 : memref<!tpu.dma_semaphore, #tpu.memory_space<semaphore_mem>>) src(%dma_wait3A_83 : memref<125x80xi32, #tpu.memory_space<hbm>>) dst(%arg9 : memref<125x80xi32, #tpu.memory_space<vmem>>)
      tpu.yield
    }) : () -> ()
    "tpu.region"() ({
      %run_scoped3A_67 = tpu.sem_alloc : memref<!tpu.dma_semaphore, #tpu.memory_space<semaphore_mem>>
      %dma_start3A_68 = arith.constant 0 : i32
      %dma_start3A_69 = arith.constant 0 : i32
      %dma_start3A_70 = tpu.memref_slice %arg5[%add3A, %dma_start3A_68, %dma_start3A_69] : memref<32x125x80xi32, #tpu.memory_space<hbm>> -> memref<1x125x80xi32, #tpu.memory_space<hbm>>
      %dma_start3A_71 = tpu.memref_squeeze %dma_start3A_70 : memref<1x125x80xi32, #tpu.memory_space<hbm>> -> memref<125x80xi32, #tpu.memory_space<hbm>>
      %dma_start3A_72 = arith.constant 0 : i32
      %dma_start3A_73 = arith.constant 0 : i32
      %dma_start3A_74 = tpu.memref_slice %arg5[%add3A, %dma_start3A_72, %dma_start3A_73] : memref<32x125x80xi32, #tpu.memory_space<hbm>> -> memref<1x125x80xi32, #tpu.memory_space<hbm>>
      %dma_start3A_75 = tpu.memref_squeeze %dma_start3A_74 : memref<1x125x80xi32, #tpu.memory_space<hbm>> -> memref<125x80xi32, #tpu.memory_space<hbm>>
      tpu.enqueue_dma source(%dma_start3A_75 : memref<125x80xi32, #tpu.memory_space<hbm>>) target(%arg10 : memref<125x80xi32, #tpu.memory_space<vmem>>) target_semaphore(%run_scoped3A_67 : memref<!tpu.dma_semaphore, #tpu.memory_space<semaphore_mem>>)
      %dma_wait3A_76 = arith.constant 0 : i32
      %dma_wait3A_77 = arith.constant 0 : i32
      %dma_wait3A_78 = tpu.memref_slice %arg5[%add3A, %dma_wait3A_76, %dma_wait3A_77] : memref<32x125x80xi32, #tpu.memory_space<hbm>> -> memref<1x125x80xi32, #tpu.memory_space<hbm>>
      %dma_wait3A_79 = tpu.memref_squeeze %dma_wait3A_78 : memref<1x125x80xi32, #tpu.memory_space<hbm>> -> memref<125x80xi32, #tpu.memory_space<hbm>>
      %dma_wait3A_80 = arith.constant 0 : i32
      %dma_wait3A_81 = arith.constant 0 : i32
      %dma_wait3A_82 = tpu.memref_slice %arg5[%add3A, %dma_wait3A_80, %dma_wait3A_81] : memref<32x125x80xi32, #tpu.memory_space<hbm>> -> memref<1x125x80xi32, #tpu.memory_space<hbm>>
      %dma_wait3A_83 = tpu.memref_squeeze %dma_wait3A_82 : memref<1x125x80xi32, #tpu.memory_space<hbm>> -> memref<125x80xi32, #tpu.memory_space<hbm>>
      tpu.wait_dma2 semaphore(%run_scoped3A_67 : memref<!tpu.dma_semaphore, #tpu.memory_space<semaphore_mem>>) src(%dma_wait3A_83 : memref<125x80xi32, #tpu.memory_space<hbm>>) dst(%arg10 : memref<125x80xi32, #tpu.memory_space<vmem>>)
      tpu.yield
    }) : () -> ()
    %mul3A_33 = arith.constant 10000 : i32
    %mul3A_34 = arith.muli %add3A, %mul3A_33 : i32
    "tpu.region"() ({
      %run_scoped3A_67 = tpu.sem_alloc : memref<!tpu.dma_semaphore, #tpu.memory_space<semaphore_mem>>
      %dma_start3A_68 = tpu.memref_slice %arg2[%mul3A_34] : memref<320000xf32, #tpu.memory_space<hbm>> -> memref<10000xf32, #tpu.memory_space<hbm>>
      %dma_start3A_69 = tpu.memref_slice %arg2[%mul3A_34] : memref<320000xf32, #tpu.memory_space<hbm>> -> memref<10000xf32, #tpu.memory_space<hbm>>
      tpu.enqueue_dma source(%dma_start3A_69 : memref<10000xf32, #tpu.memory_space<hbm>>) target(%arg11 : memref<10000xf32, #tpu.memory_space<vmem>>) target_semaphore(%run_scoped3A_67 : memref<!tpu.dma_semaphore, #tpu.memory_space<semaphore_mem>>)
      %dma_wait3A_70 = tpu.memref_slice %arg2[%mul3A_34] : memref<320000xf32, #tpu.memory_space<hbm>> -> memref<10000xf32, #tpu.memory_space<hbm>>
      %dma_wait3A_71 = tpu.memref_slice %arg2[%mul3A_34] : memref<320000xf32, #tpu.memory_space<hbm>> -> memref<10000xf32, #tpu.memory_space<hbm>>
      tpu.wait_dma2 semaphore(%run_scoped3A_67 : memref<!tpu.dma_semaphore, #tpu.memory_space<semaphore_mem>>) src(%dma_wait3A_71 : memref<10000xf32, #tpu.memory_space<hbm>>) dst(%arg11 : memref<10000xf32, #tpu.memory_space<vmem>>)
      tpu.yield
    }) : () -> ()
    %barrier3A = arith.constant 0 : index
    tpu.barrier barrier_id(%barrier3A)
    %iota3A = tpu.iota {dimensions = array<i32: 0>} : vector<16xi32>
    %dma_start3A = arith.constant 0 : i32
    %dma_start3A_35 = arith.constant 0 : i32
    %dma_start3A_36 = tpu.memref_slice %arg9[%dma_start3A, %dma_start3A_35] : memref<125x80xi32, #tpu.memory_space<vmem>> -> memref<1x80xi32, #tpu.memory_space<vmem>>
    %dma_start3A_37 = tpu.memref_squeeze %dma_start3A_36 : memref<1x80xi32, #tpu.memory_space<vmem>> -> memref<80xi32, #tpu.memory_space<vmem>>
    %dma_start3A_38 = arith.constant 0 : i32
    %dma_start3A_39 = arith.constant 0 : i32
    %dma_start3A_40 = tpu.memref_slice %arg6[%dma_start3A_38, %dma_start3A_39] : memref<10000x64xf32, #tpu.memory_space<hbm>> -> memref<10000x64xf32, #tpu.memory_space<hbm>>
    tpu.enqueue_indirect_dma source(%dma_start3A_40 : memref<10000x64xf32, #tpu.memory_space<hbm>>) target(%arg13 : memref<80x64xf32, #tpu.memory_space<vmem>>) offsets(%dma_start3A_37 : memref<80xi32, #tpu.memory_space<vmem>>) semaphore(%arg19 : memref<!tpu.dma_semaphore, #tpu.memory_space<semaphore_mem>>)
    %scan3A_41 = arith.constant 0 : i32
    %scan3A_42 = arith.constant 0 : i32
    %scan3A_43 = arith.constant 63 : i32
    %scan3A_44 = arith.addi %scan3A_42, %scan3A_43 : i32
    %scan3A_45 = arith.constant 1 : i32
    scf.for %scan3A_67 = %scan3A_42 to %scan3A_44 step %scan3A_45  : i32 {
      %mul3A_68 = arith.constant 2 : i32
      %mul3A_69 = arith.muli %mul3A_68, %scan3A_67 : i32
      %dma_wait3A_70 = arith.constant 0 : i32
      %dma_wait3A_71 = tpu.memref_slice %arg9[%mul3A_69, %dma_wait3A_70] : memref<125x80xi32, #tpu.memory_space<vmem>> -> memref<1x80xi32, #tpu.memory_space<vmem>>
      %dma_wait3A_72 = tpu.memref_squeeze %dma_wait3A_71 : memref<1x80xi32, #tpu.memory_space<vmem>> -> memref<80xi32, #tpu.memory_space<vmem>>
      %dma_wait3A_73 = arith.constant 0 : i32
      %dma_wait3A_74 = arith.constant 0 : i32
      %dma_wait3A_75 = tpu.memref_slice %arg6[%dma_wait3A_73, %dma_wait3A_74] : memref<10000x64xf32, #tpu.memory_space<hbm>> -> memref<10000x64xf32, #tpu.memory_space<hbm>>
      tpu.wait_indirect_dma semaphore(%arg19 : memref<!tpu.dma_semaphore, #tpu.memory_space<semaphore_mem>>) src(%dma_wait3A_75 : memref<10000x64xf32, #tpu.memory_space<hbm>>) dst(%arg13 : memref<80x64xf32, #tpu.memory_space<vmem>>)
      %gt3A = arith.constant 0 : i32
      %gt3A_76 = arith.cmpi sgt, %scan3A_67, %gt3A : i32
      %add3A_77 = arith.constant 1 : i32
      %add3A_78 = arith.addi %mul3A_69, %add3A_77 : i32
      %lt3A = arith.constant 125 : i32
      %lt3A_79 = arith.cmpi slt, %add3A_78, %lt3A : i32
      %and3A = arith.andi %gt3A_76, %lt3A_79 : i1
      %convert_element_type3A = arith.extui %and3A : i1 to i32
      %cond3A = arith.constant 0 : i32
      %cond3A_80 = arith.cmpi ne, %convert_element_type3A, %cond3A : i32
      scf.if %cond3A_80 {
        %sub3A = arith.constant 1 : i32
        %sub3A_107 = arith.subi %mul3A_69, %sub3A : i32
        %dma_wait3A_108 = arith.constant 0 : i32
        %dma_wait3A_109 = tpu.memref_slice %arg10[%sub3A_107, %dma_wait3A_108] : memref<125x80xi32, #tpu.memory_space<vmem>> -> memref<1x80xi32, #tpu.memory_space<vmem>>
        %dma_wait3A_110 = tpu.memref_squeeze %dma_wait3A_109 : memref<1x80xi32, #tpu.memory_space<vmem>> -> memref<80xi32, #tpu.memory_space<vmem>>
        %dma_wait3A_111 = arith.constant 0 : i32
        %dma_wait3A_112 = arith.constant 0 : i32
        %dma_wait3A_113 = tpu.memref_slice %arg18[%dma_wait3A_111, %dma_wait3A_112] : memref<10000x64xf32, #tpu.memory_space<vmem_shared>> -> memref<10000x64xf32, #tpu.memory_space<vmem_shared>>
        tpu.wait_indirect_dma semaphore(%arg22 : memref<!tpu.dma_semaphore, #tpu.memory_space<semaphore_mem>>) src(%arg14 : memref<80x64xf32, #tpu.memory_space<vmem>>) dst(%dma_wait3A_113 : memref<10000x64xf32, #tpu.memory_space<vmem_shared>>)
      } else {
      }
      %add3A_81 = arith.constant 1 : i32
      %add3A_82 = arith.addi %mul3A_69, %add3A_81 : i32
      %lt3A_83 = arith.constant 125 : i32
      %lt3A_84 = arith.cmpi slt, %add3A_82, %lt3A_83 : i32
      %convert_element_type3A_85 = arith.extui %lt3A_84 : i1 to i32
      %cond3A_86 = arith.constant 0 : i32
      %cond3A_87 = arith.cmpi ne, %convert_element_type3A_85, %cond3A_86 : i32
      scf.if %cond3A_87 {
        %add3A_107 = arith.constant 1 : i32
        %add3A_108 = arith.addi %mul3A_69, %add3A_107 : i32
        %dma_start3A_109 = arith.constant 0 : i32
        %dma_start3A_110 = tpu.memref_slice %arg9[%add3A_108, %dma_start3A_109] : memref<125x80xi32, #tpu.memory_space<vmem>> -> memref<1x80xi32, #tpu.memory_space<vmem>>
        %dma_start3A_111 = tpu.memref_squeeze %dma_start3A_110 : memref<1x80xi32, #tpu.memory_space<vmem>> -> memref<80xi32, #tpu.memory_space<vmem>>
        %dma_start3A_112 = arith.constant 0 : i32
        %dma_start3A_113 = arith.constant 0 : i32
        %dma_start3A_114 = tpu.memref_slice %arg6[%dma_start3A_112, %dma_start3A_113] : memref<10000x64xf32, #tpu.memory_space<hbm>> -> memref<10000x64xf32, #tpu.memory_space<hbm>>
        tpu.enqueue_indirect_dma source(%dma_start3A_114 : memref<10000x64xf32, #tpu.memory_space<hbm>>) target(%arg14 : memref<80x64xf32, #tpu.memory_space<vmem>>) offsets(%dma_start3A_111 : memref<80xi32, #tpu.memory_space<vmem>>) semaphore(%arg20 : memref<!tpu.dma_semaphore, #tpu.memory_space<semaphore_mem>>)
      } else {
      }
      %scan3A_88 = arith.constant 0 : i32
      %scan3A_89 = arith.constant 0 : i32
      %scan3A_90 = arith.constant 5 : i32
      %scan3A_91 = arith.addi %scan3A_89, %scan3A_90 : i32
      %scan3A_92 = arith.constant 1 : i32
      scf.for %scan3A_107 = %scan3A_89 to %scan3A_91 step %scan3A_92  : i32 {
        %mul3A_108 = arith.constant 16 : i32
        %mul3A_109 = arith.muli %scan3A_107, %mul3A_108 : i32
        %add3A_110 = vector.broadcast %mul3A_109 : i32 to vector<16xi32>
        %add3A_111 = arith.addi %add3A_110, %iota3A : vector<16xi32>
        %mul3A_112 = arith.constant 16 : i32
        %mul3A_113 = arith.muli %scan3A_107, %mul3A_112 : i32
        %get3A = arith.index_cast %mul3A_69 : i32 to index
        %get3A_114 = arith.index_cast %mul3A_113 : i32 to index
        %get3A_115 = tpu.vector_load %arg10[%get3A, %get3A_114] {strides = array<i32>} : memref<125x80xi32, #tpu.memory_space<vmem>>, vector<16xi32>,
        %mul3A_116 = arith.constant 80 : i32
        %mul3A_117 = arith.muli %mul3A_69, %mul3A_116 : i32
        %mul3A_118 = arith.constant 16 : i32
        %mul3A_119 = arith.muli %scan3A_107, %mul3A_118 : i32
        %add3A_120 = arith.addi %mul3A_117, %mul3A_119 : i32
        %get3A_121 = arith.index_cast %add3A_120 : i32 to index
        %get3A_122 = tpu.vector_load %arg11[%get3A_121] {strides = array<i32>} : memref<10000xf32, #tpu.memory_space<vmem>>, vector<16xf32>,
        %gather3A = tpu.vector_load_idx %arg15[%get3A_115] : memref<10000xf32, #tpu.memory_space<vmem>>[vector<16xi32>], vector<16xf32>,
        %div3A = arith.divf %get3A_122, %gather3A : vector<16xf32>
        %mul3A_123 = arith.constant 80 : i32
        %mul3A_124 = arith.muli %mul3A_69, %mul3A_123 : i32
        %mul3A_125 = arith.constant 16 : i32
        %mul3A_126 = arith.muli %scan3A_107, %mul3A_125 : i32
        %add3A_127 = arith.addi %mul3A_124, %mul3A_126 : i32
        %swap3A = arith.index_cast %add3A_127 : i32 to index
        %swap3A_128 = tpu.vector_load %arg12[%swap3A] {strides = array<i32>} : memref<10000xf32, #tpu.memory_space<vmem>>, vector<16xf32>,
        tpu.vector_store %arg12[%swap3A], %div3A {strides = array<i32>} : memref<10000xf32, #tpu.memory_space<vmem>>, vector<16xf32>,
        %scan3A_129 = arith.constant 0 : i32
        %scan3A_130 = arith.constant 0 : i32
        %scan3A_131 = arith.constant 64 : i32
        %scan3A_132 = arith.addi %scan3A_130, %scan3A_131 : i32
        %scan3A_133 = arith.constant 8 : i32
        scf.for %scan3A_135 = %scan3A_130 to %scan3A_132 step %scan3A_133  : i32 {
          %broadcast_in_dim3A = vector.broadcast %scan3A_135 : i32 to vector<16xi32>
          %gather3A_136 = tpu.vector_load_idx %arg13[%add3A_111, %broadcast_in_dim3A] : memref<80x64xf32, #tpu.memory_space<vmem>>[vector<16xi32>, vector<16xi32>], vector<16xf32>,
          %mul3A_137 = arith.mulf %gather3A_136, %div3A : vector<16xf32>
          tpu.vector_store_idx %arg13[%add3A_111, %broadcast_in_dim3A], %mul3A_137 : memref<80x64xf32, #tpu.memory_space<vmem>>[vector<16xi32>, vector<16xi32>], vector<16xf32>,
          %scan3A_138 = arith.constant 1 : i32
          %scan3A_139 = arith.addi %scan3A_135, %scan3A_138 : i32
          %broadcast_in_dim3A_140 = vector.broadcast %scan3A_139 : i32 to vector<16xi32>
          %gather3A_141 = tpu.vector_load_idx %arg13[%add3A_111, %broadcast_in_dim3A_140] : memref<80x64xf32, #tpu.memory_space<vmem>>[vector<16xi32>, vector<16xi32>], vector<16xf32>,
          %mul3A_142 = arith.mulf %gather3A_141, %div3A : vector<16xf32>
          tpu.vector_store_idx %arg13[%add3A_111, %broadcast_in_dim3A_140], %mul3A_142 : memref<80x64xf32, #tpu.memory_space<vmem>>[vector<16xi32>, vector<16xi32>], vector<16xf32>,
          %scan3A_143 = arith.constant 2 : i32
          %scan3A_144 = arith.addi %scan3A_135, %scan3A_143 : i32
          %broadcast_in_dim3A_145 = vector.broadcast %scan3A_144 : i32 to vector<16xi32>
          %gather3A_146 = tpu.vector_load_idx %arg13[%add3A_111, %broadcast_in_dim3A_145] : memref<80x64xf32, #tpu.memory_space<vmem>>[vector<16xi32>, vector<16xi32>], vector<16xf32>,
          %mul3A_147 = arith.mulf %gather3A_146, %div3A : vector<16xf32>
          tpu.vector_store_idx %arg13[%add3A_111, %broadcast_in_dim3A_145], %mul3A_147 : memref<80x64xf32, #tpu.memory_space<vmem>>[vector<16xi32>, vector<16xi32>], vector<16xf32>,
          %scan3A_148 = arith.constant 3 : i32
          %scan3A_149 = arith.addi %scan3A_135, %scan3A_148 : i32
          %broadcast_in_dim3A_150 = vector.broadcast %scan3A_149 : i32 to vector<16xi32>
          %gather3A_151 = tpu.vector_load_idx %arg13[%add3A_111, %broadcast_in_dim3A_150] : memref<80x64xf32, #tpu.memory_space<vmem>>[vector<16xi32>, vector<16xi32>], vector<16xf32>,
          %mul3A_152 = arith.mulf %gather3A_151, %div3A : vector<16xf32>
          tpu.vector_store_idx %arg13[%add3A_111, %broadcast_in_dim3A_150], %mul3A_152 : memref<80x64xf32, #tpu.memory_space<vmem>>[vector<16xi32>, vector<16xi32>], vector<16xf32>,
          %scan3A_153 = arith.constant 4 : i32
          %scan3A_154 = arith.addi %scan3A_135, %scan3A_153 : i32
          %broadcast_in_dim3A_155 = vector.broadcast %scan3A_154 : i32 to vector<16xi32>
          %gather3A_156 = tpu.vector_load_idx %arg13[%add3A_111, %broadcast_in_dim3A_155] : memref<80x64xf32, #tpu.memory_space<vmem>>[vector<16xi32>, vector<16xi32>], vector<16xf32>,
          %mul3A_157 = arith.mulf %gather3A_156, %div3A : vector<16xf32>
          tpu.vector_store_idx %arg13[%add3A_111, %broadcast_in_dim3A_155], %mul3A_157 : memref<80x64xf32, #tpu.memory_space<vmem>>[vector<16xi32>, vector<16xi32>], vector<16xf32>,
          %scan3A_158 = arith.constant 5 : i32
          %scan3A_159 = arith.addi %scan3A_135, %scan3A_158 : i32
          %broadcast_in_dim3A_160 = vector.broadcast %scan3A_159 : i32 to vector<16xi32>
          %gather3A_161 = tpu.vector_load_idx %arg13[%add3A_111, %broadcast_in_dim3A_160] : memref<80x64xf32, #tpu.memory_space<vmem>>[vector<16xi32>, vector<16xi32>], vector<16xf32>,
          %mul3A_162 = arith.mulf %gather3A_161, %div3A : vector<16xf32>
          tpu.vector_store_idx %arg13[%add3A_111, %broadcast_in_dim3A_160], %mul3A_162 : memref<80x64xf32, #tpu.memory_space<vmem>>[vector<16xi32>, vector<16xi32>], vector<16xf32>,
          %scan3A_163 = arith.constant 6 : i32
          %scan3A_164 = arith.addi %scan3A_135, %scan3A_163 : i32
          %broadcast_in_dim3A_165 = vector.broadcast %scan3A_164 : i32 to vector<16xi32>
          %gather3A_166 = tpu.vector_load_idx %arg13[%add3A_111, %broadcast_in_dim3A_165] : memref<80x64xf32, #tpu.memory_space<vmem>>[vector<16xi32>, vector<16xi32>], vector<16xf32>,
          %mul3A_167 = arith.mulf %gather3A_166, %div3A : vector<16xf32>
          tpu.vector_store_idx %arg13[%add3A_111, %broadcast_in_dim3A_165], %mul3A_167 : memref<80x64xf32, #tpu.memory_space<vmem>>[vector<16xi32>, vector<16xi32>], vector<16xf32>,
          %scan3A_168 = arith.constant 7 : i32
          %scan3A_169 = arith.addi %scan3A_135, %scan3A_168 : i32
          %broadcast_in_dim3A_170 = vector.broadcast %scan3A_169 : i32 to vector<16xi32>
          %gather3A_171 = tpu.vector_load_idx %arg13[%add3A_111, %broadcast_in_dim3A_170] : memref<80x64xf32, #tpu.memory_space<vmem>>[vector<16xi32>, vector<16xi32>], vector<16xf32>,
          %mul3A_172 = arith.mulf %gather3A_171, %div3A : vector<16xf32>
          tpu.vector_store_idx %arg13[%add3A_111, %broadcast_in_dim3A_170], %mul3A_172 : memref<80x64xf32, #tpu.memory_space<vmem>>[vector<16xi32>, vector<16xi32>], vector<16xf32>,
        }
        %scan3A_134 = arith.constant 64 : i32
      }
      %scan3A_93 = arith.constant 5 : i32
      %dma_start3A_94 = arith.constant 0 : i32
      %dma_start3A_95 = tpu.memref_slice %arg10[%mul3A_69, %dma_start3A_94] : memref<125x80xi32, #tpu.memory_space<vmem>> -> memref<1x80xi32, #tpu.memory_space<vmem>>
      %dma_start3A_96 = tpu.memref_squeeze %dma_start3A_95 : memref<1x80xi32, #tpu.memory_space<vmem>> -> memref<80xi32, #tpu.memory_space<vmem>>
      %dma_start3A_97 = arith.constant 0 : i32
      %dma_start3A_98 = arith.constant 0 : i32
      %dma_start3A_99 = tpu.memref_slice %arg18[%dma_start3A_97, %dma_start3A_98] : memref<10000x64xf32, #tpu.memory_space<vmem_shared>> -> memref<10000x64xf32, #tpu.memory_space<vmem_shared>>
      tpu.enqueue_indirect_dma source(%arg13 : memref<80x64xf32, #tpu.memory_space<vmem>>) target(%dma_start3A_99 : memref<10000x64xf32, #tpu.memory_space<vmem_shared>>) offsets(%dma_start3A_96 : memref<80xi32, #tpu.memory_space<vmem>>) semaphore(%arg21 : memref<!tpu.dma_semaphore, #tpu.memory_space<semaphore_mem>>) {add = true}
      %add3A_100 = arith.constant 1 : i32
      %add3A_101 = arith.addi %mul3A_69, %add3A_100 : i32
      %lt3A_102 = arith.constant 125 : i32
      %lt3A_103 = arith.cmpi slt, %add3A_101, %lt3A_102 : i32
      %convert_element_type3A_104 = arith.extui %lt3A_103 : i1 to i32
      %cond3A_105 = arith.constant 0 : i32
      %cond3A_106 = arith.cmpi ne, %convert_element_type3A_104, %cond3A_105 : i32
      scf.if %cond3A_106 {
        %add3A_107 = arith.constant 1 : i32
        %add3A_108 = arith.addi %mul3A_69, %add3A_107 : i32
        %dma_wait3A_109 = arith.constant 0 : i32
        %dma_wait3A_110 = tpu.memref_slice %arg9[%add3A_108, %dma_wait3A_109] : memref<125x80xi32, #tpu.memory_space<vmem>> -> memref<1x80xi32, #tpu.memory_space<vmem>>
        %dma_wait3A_111 = tpu.memref_squeeze %dma_wait3A_110 : memref<1x80xi32, #tpu.memory_space<vmem>> -> memref<80xi32, #tpu.memory_space<vmem>>
        %dma_wait3A_112 = arith.constant 0 : i32
        %dma_wait3A_113 = arith.constant 0 : i32
        %dma_wait3A_114 = tpu.memref_slice %arg6[%dma_wait3A_112, %dma_wait3A_113] : memref<10000x64xf32, #tpu.memory_space<hbm>> -> memref<10000x64xf32, #tpu.memory_space<hbm>>
        tpu.wait_indirect_dma semaphore(%arg20 : memref<!tpu.dma_semaphore, #tpu.memory_space<semaphore_mem>>) src(%dma_wait3A_114 : memref<10000x64xf32, #tpu.memory_space<hbm>>) dst(%arg14 : memref<80x64xf32, #tpu.memory_space<vmem>>)
        %add3A_115 = arith.constant 2 : i32
        %add3A_116 = arith.addi %mul3A_69, %add3A_115 : i32
        %lt3A_117 = arith.constant 125 : i32
        %lt3A_118 = arith.cmpi slt, %add3A_116, %lt3A_117 : i32
        %convert_element_type3A_119 = arith.extui %lt3A_118 : i1 to i32
        %cond3A_120 = arith.constant 0 : i32
        %cond3A_121 = arith.cmpi ne, %convert_element_type3A_119, %cond3A_120 : i32
        scf.if %cond3A_121 {
          %dma_wait3A_136 = arith.constant 0 : i32
          %dma_wait3A_137 = tpu.memref_slice %arg10[%mul3A_69, %dma_wait3A_136] : memref<125x80xi32, #tpu.memory_space<vmem>> -> memref<1x80xi32, #tpu.memory_space<vmem>>
          %dma_wait3A_138 = tpu.memref_squeeze %dma_wait3A_137 : memref<1x80xi32, #tpu.memory_space<vmem>> -> memref<80xi32, #tpu.memory_space<vmem>>
          %dma_wait3A_139 = arith.constant 0 : i32
          %dma_wait3A_140 = arith.constant 0 : i32
          %dma_wait3A_141 = tpu.memref_slice %arg18[%dma_wait3A_139, %dma_wait3A_140] : memref<10000x64xf32, #tpu.memory_space<vmem_shared>> -> memref<10000x64xf32, #tpu.memory_space<vmem_shared>>
          tpu.wait_indirect_dma semaphore(%arg21 : memref<!tpu.dma_semaphore, #tpu.memory_space<semaphore_mem>>) src(%arg13 : memref<80x64xf32, #tpu.memory_space<vmem>>) dst(%dma_wait3A_141 : memref<10000x64xf32, #tpu.memory_space<vmem_shared>>)
          %add3A_142 = arith.constant 2 : i32
          %add3A_143 = arith.addi %mul3A_69, %add3A_142 : i32
          %dma_start3A_144 = arith.constant 0 : i32
          %dma_start3A_145 = tpu.memref_slice %arg9[%add3A_143, %dma_start3A_144] : memref<125x80xi32, #tpu.memory_space<vmem>> -> memref<1x80xi32, #tpu.memory_space<vmem>>
          %dma_start3A_146 = tpu.memref_squeeze %dma_start3A_145 : memref<1x80xi32, #tpu.memory_space<vmem>> -> memref<80xi32, #tpu.memory_space<vmem>>
          %dma_start3A_147 = arith.constant 0 : i32
          %dma_start3A_148 = arith.constant 0 : i32
          %dma_start3A_149 = tpu.memref_slice %arg6[%dma_start3A_147, %dma_start3A_148] : memref<10000x64xf32, #tpu.memory_space<hbm>> -> memref<10000x64xf32, #tpu.memory_space<hbm>>
          tpu.enqueue_indirect_dma source(%dma_start3A_149 : memref<10000x64xf32, #tpu.memory_space<hbm>>) target(%arg13 : memref<80x64xf32, #tpu.memory_space<vmem>>) offsets(%dma_start3A_146 : memref<80xi32, #tpu.memory_space<vmem>>) semaphore(%arg19 : memref<!tpu.dma_semaphore, #tpu.memory_space<semaphore_mem>>)
        } else {
        }
        %add3A_122 = arith.constant 1 : i32
        %add3A_123 = arith.addi %mul3A_69, %add3A_122 : i32
        %scan3A_124 = arith.constant 0 : i32
        %scan3A_125 = arith.constant 0 : i32
        %scan3A_126 = arith.constant 5 : i32
        %scan3A_127 = arith.addi %scan3A_125, %scan3A_126 : i32
        %scan3A_128 = arith.constant 1 : i32
        scf.for %scan3A_136 = %scan3A_125 to %scan3A_127 step %scan3A_128  : i32 {
          %mul3A_137 = arith.constant 16 : i32
          %mul3A_138 = arith.muli %scan3A_136, %mul3A_137 : i32
          %add3A_139 = vector.broadcast %mul3A_138 : i32 to vector<16xi32>
          %add3A_140 = arith.addi %add3A_139, %iota3A : vector<16xi32>
          %mul3A_141 = arith.constant 16 : i32
          %mul3A_142 = arith.muli %scan3A_136, %mul3A_141 : i32
          %get3A = arith.index_cast %add3A_123 : i32 to index
          %get3A_143 = arith.index_cast %mul3A_142 : i32 to index
          %get3A_144 = tpu.vector_load %arg10[%get3A, %get3A_143] {strides = array<i32>} : memref<125x80xi32, #tpu.memory_space<vmem>>, vector<16xi32>,
          %mul3A_145 = arith.constant 80 : i32
          %mul3A_146 = arith.muli %add3A_123, %mul3A_145 : i32
          %mul3A_147 = arith.constant 16 : i32
          %mul3A_148 = arith.muli %scan3A_136, %mul3A_147 : i32
          %add3A_149 = arith.addi %mul3A_146, %mul3A_148 : i32
          %get3A_150 = arith.index_cast %add3A_149 : i32 to index
          %get3A_151 = tpu.vector_load %arg11[%get3A_150] {strides = array<i32>} : memref<10000xf32, #tpu.memory_space<vmem>>, vector<16xf32>,
          %gather3A = tpu.vector_load_idx %arg15[%get3A_144] : memref<10000xf32, #tpu.memory_space<vmem>>[vector<16xi32>], vector<16xf32>,
          %div3A = arith.divf %get3A_151, %gather3A : vector<16xf32>
          %mul3A_152 = arith.constant 80 : i32
          %mul3A_153 = arith.muli %add3A_123, %mul3A_152 : i32
          %mul3A_154 = arith.constant 16 : i32
          %mul3A_155 = arith.muli %scan3A_136, %mul3A_154 : i32
          %add3A_156 = arith.addi %mul3A_153, %mul3A_155 : i32
          %swap3A = arith.index_cast %add3A_156 : i32 to index
          %swap3A_157 = tpu.vector_load %arg12[%swap3A] {strides = array<i32>} : memref<10000xf32, #tpu.memory_space<vmem>>, vector<16xf32>,
          tpu.vector_store %arg12[%swap3A], %div3A {strides = array<i32>} : memref<10000xf32, #tpu.memory_space<vmem>>, vector<16xf32>,
          %scan3A_158 = arith.constant 0 : i32
          %scan3A_159 = arith.constant 0 : i32
          %scan3A_160 = arith.constant 64 : i32
          %scan3A_161 = arith.addi %scan3A_159, %scan3A_160 : i32
          %scan3A_162 = arith.constant 8 : i32
          scf.for %scan3A_164 = %scan3A_159 to %scan3A_161 step %scan3A_162  : i32 {
            %broadcast_in_dim3A = vector.broadcast %scan3A_164 : i32 to vector<16xi32>
            %gather3A_165 = tpu.vector_load_idx %arg14[%add3A_140, %broadcast_in_dim3A] : memref<80x64xf32, #tpu.memory_space<vmem>>[vector<16xi32>, vector<16xi32>], vector<16xf32>,
            %mul3A_166 = arith.mulf %gather3A_165, %div3A : vector<16xf32>
            tpu.vector_store_idx %arg14[%add3A_140, %broadcast_in_dim3A], %mul3A_166 : memref<80x64xf32, #tpu.memory_space<vmem>>[vector<16xi32>, vector<16xi32>], vector<16xf32>,
            %scan3A_167 = arith.constant 1 : i32
            %scan3A_168 = arith.addi %scan3A_164, %scan3A_167 : i32
            %broadcast_in_dim3A_169 = vector.broadcast %scan3A_168 : i32 to vector<16xi32>
            %gather3A_170 = tpu.vector_load_idx %arg14[%add3A_140, %broadcast_in_dim3A_169] : memref<80x64xf32, #tpu.memory_space<vmem>>[vector<16xi32>, vector<16xi32>], vector<16xf32>,
            %mul3A_171 = arith.mulf %gather3A_170, %div3A : vector<16xf32>
            tpu.vector_store_idx %arg14[%add3A_140, %broadcast_in_dim3A_169], %mul3A_171 : memref<80x64xf32, #tpu.memory_space<vmem>>[vector<16xi32>, vector<16xi32>], vector<16xf32>,
            %scan3A_172 = arith.constant 2 : i32
            %scan3A_173 = arith.addi %scan3A_164, %scan3A_172 : i32
            %broadcast_in_dim3A_174 = vector.broadcast %scan3A_173 : i32 to vector<16xi32>
            %gather3A_175 = tpu.vector_load_idx %arg14[%add3A_140, %broadcast_in_dim3A_174] : memref<80x64xf32, #tpu.memory_space<vmem>>[vector<16xi32>, vector<16xi32>], vector<16xf32>,
            %mul3A_176 = arith.mulf %gather3A_175, %div3A : vector<16xf32>
            tpu.vector_store_idx %arg14[%add3A_140, %broadcast_in_dim3A_174], %mul3A_176 : memref<80x64xf32, #tpu.memory_space<vmem>>[vector<16xi32>, vector<16xi32>], vector<16xf32>,
            %scan3A_177 = arith.constant 3 : i32
            %scan3A_178 = arith.addi %scan3A_164, %scan3A_177 : i32
            %broadcast_in_dim3A_179 = vector.broadcast %scan3A_178 : i32 to vector<16xi32>
            %gather3A_180 = tpu.vector_load_idx %arg14[%add3A_140, %broadcast_in_dim3A_179] : memref<80x64xf32, #tpu.memory_space<vmem>>[vector<16xi32>, vector<16xi32>], vector<16xf32>,
            %mul3A_181 = arith.mulf %gather3A_180, %div3A : vector<16xf32>
            tpu.vector_store_idx %arg14[%add3A_140, %broadcast_in_dim3A_179], %mul3A_181 : memref<80x64xf32, #tpu.memory_space<vmem>>[vector<16xi32>, vector<16xi32>], vector<16xf32>,
            %scan3A_182 = arith.constant 4 : i32
            %scan3A_183 = arith.addi %scan3A_164, %scan3A_182 : i32
            %broadcast_in_dim3A_184 = vector.broadcast %scan3A_183 : i32 to vector<16xi32>
            %gather3A_185 = tpu.vector_load_idx %arg14[%add3A_140, %broadcast_in_dim3A_184] : memref<80x64xf32, #tpu.memory_space<vmem>>[vector<16xi32>, vector<16xi32>], vector<16xf32>,
            %mul3A_186 = arith.mulf %gather3A_185, %div3A : vector<16xf32>
            tpu.vector_store_idx %arg14[%add3A_140, %broadcast_in_dim3A_184], %mul3A_186 : memref<80x64xf32, #tpu.memory_space<vmem>>[vector<16xi32>, vector<16xi32>], vector<16xf32>,
            %scan3A_187 = arith.constant 5 : i32
            %scan3A_188 = arith.addi %scan3A_164, %scan3A_187 : i32
            %broadcast_in_dim3A_189 = vector.broadcast %scan3A_188 : i32 to vector<16xi32>
            %gather3A_190 = tpu.vector_load_idx %arg14[%add3A_140, %broadcast_in_dim3A_189] : memref<80x64xf32, #tpu.memory_space<vmem>>[vector<16xi32>, vector<16xi32>], vector<16xf32>,
            %mul3A_191 = arith.mulf %gather3A_190, %div3A : vector<16xf32>
            tpu.vector_store_idx %arg14[%add3A_140, %broadcast_in_dim3A_189], %mul3A_191 : memref<80x64xf32, #tpu.memory_space<vmem>>[vector<16xi32>, vector<16xi32>], vector<16xf32>,
            %scan3A_192 = arith.constant 6 : i32
            %scan3A_193 = arith.addi %scan3A_164, %scan3A_192 : i32
            %broadcast_in_dim3A_194 = vector.broadcast %scan3A_193 : i32 to vector<16xi32>
            %gather3A_195 = tpu.vector_load_idx %arg14[%add3A_140, %broadcast_in_dim3A_194] : memref<80x64xf32, #tpu.memory_space<vmem>>[vector<16xi32>, vector<16xi32>], vector<16xf32>,
            %mul3A_196 = arith.mulf %gather3A_195, %div3A : vector<16xf32>
            tpu.vector_store_idx %arg14[%add3A_140, %broadcast_in_dim3A_194], %mul3A_196 : memref<80x64xf32, #tpu.memory_space<vmem>>[vector<16xi32>, vector<16xi32>], vector<16xf32>,
            %scan3A_197 = arith.constant 7 : i32
            %scan3A_198 = arith.addi %scan3A_164, %scan3A_197 : i32
            %broadcast_in_dim3A_199 = vector.broadcast %scan3A_198 : i32 to vector<16xi32>
            %gather3A_200 = tpu.vector_load_idx %arg14[%add3A_140, %broadcast_in_dim3A_199] : memref<80x64xf32, #tpu.memory_space<vmem>>[vector<16xi32>, vector<16xi32>], vector<16xf32>,
            %mul3A_201 = arith.mulf %gather3A_200, %div3A : vector<16xf32>
            tpu.vector_store_idx %arg14[%add3A_140, %broadcast_in_dim3A_199], %mul3A_201 : memref<80x64xf32, #tpu.memory_space<vmem>>[vector<16xi32>, vector<16xi32>], vector<16xf32>,
          }
          %scan3A_163 = arith.constant 64 : i32
        }
        %scan3A_129 = arith.constant 5 : i32
        %dma_start3A_130 = arith.constant 0 : i32
        %dma_start3A_131 = tpu.memref_slice %arg10[%add3A_123, %dma_start3A_130] : memref<125x80xi32, #tpu.memory_space<vmem>> -> memref<1x80xi32, #tpu.memory_space<vmem>>
        %dma_start3A_132 = tpu.memref_squeeze %dma_start3A_131 : memref<1x80xi32, #tpu.memory_space<vmem>> -> memref<80xi32, #tpu.memory_space<vmem>>
        %dma_start3A_133 = arith.constant 0 : i32
        %dma_start3A_134 = arith.constant 0 : i32
        %dma_start3A_135 = tpu.memref_slice %arg18[%dma_start3A_133, %dma_start3A_134] : memref<10000x64xf32, #tpu.memory_space<vmem_shared>> -> memref<10000x64xf32, #tpu.memory_space<vmem_shared>>
        tpu.enqueue_indirect_dma source(%arg14 : memref<80x64xf32, #tpu.memory_space<vmem>>) target(%dma_start3A_135 : memref<10000x64xf32, #tpu.memory_space<vmem_shared>>) offsets(%dma_start3A_132 : memref<80xi32, #tpu.memory_space<vmem>>) semaphore(%arg22 : memref<!tpu.dma_semaphore, #tpu.memory_space<semaphore_mem>>) {add = true}
      } else {
      }
    }
    %scan3A_46 = arith.constant 63 : i32
    %dma_wait3A = arith.constant 124 : i32
    %dma_wait3A_47 = arith.constant 0 : i32
    %dma_wait3A_48 = tpu.memref_slice %arg10[%dma_wait3A, %dma_wait3A_47] : memref<125x80xi32, #tpu.memory_space<vmem>> -> memref<1x80xi32, #tpu.memory_space<vmem>>
    %dma_wait3A_49 = tpu.memref_squeeze %dma_wait3A_48 : memref<1x80xi32, #tpu.memory_space<vmem>> -> memref<80xi32, #tpu.memory_space<vmem>>
    %dma_wait3A_50 = arith.constant 0 : i32
    %dma_wait3A_51 = arith.constant 0 : i32
    %dma_wait3A_52 = tpu.memref_slice %arg18[%dma_wait3A_50, %dma_wait3A_51] : memref<10000x64xf32, #tpu.memory_space<vmem_shared>> -> memref<10000x64xf32, #tpu.memory_space<vmem_shared>>
    tpu.wait_indirect_dma semaphore(%arg21 : memref<!tpu.dma_semaphore, #tpu.memory_space<semaphore_mem>>) src(%arg13 : memref<80x64xf32, #tpu.memory_space<vmem>>) dst(%dma_wait3A_52 : memref<10000x64xf32, #tpu.memory_space<vmem_shared>>)
    %dma_wait3A_53 = arith.constant 123 : i32
    %dma_wait3A_54 = arith.constant 0 : i32
    %dma_wait3A_55 = tpu.memref_slice %arg10[%dma_wait3A_53, %dma_wait3A_54] : memref<125x80xi32, #tpu.memory_space<vmem>> -> memref<1x80xi32, #tpu.memory_space<vmem>>
    %dma_wait3A_56 = tpu.memref_squeeze %dma_wait3A_55 : memref<1x80xi32, #tpu.memory_space<vmem>> -> memref<80xi32, #tpu.memory_space<vmem>>
    %dma_wait3A_57 = arith.constant 0 : i32
    %dma_wait3A_58 = arith.constant 0 : i32
    %dma_wait3A_59 = tpu.memref_slice %arg18[%dma_wait3A_57, %dma_wait3A_58] : memref<10000x64xf32, #tpu.memory_space<vmem_shared>> -> memref<10000x64xf32, #tpu.memory_space<vmem_shared>>
    tpu.wait_indirect_dma semaphore(%arg22 : memref<!tpu.dma_semaphore, #tpu.memory_space<semaphore_mem>>) src(%arg14 : memref<80x64xf32, #tpu.memory_space<vmem>>) dst(%dma_wait3A_59 : memref<10000x64xf32, #tpu.memory_space<vmem_shared>>)
    %mul3A_60 = arith.constant 10000 : i32
    %mul3A_61 = arith.muli %add3A, %mul3A_60 : i32
    "tpu.region"() ({
      %run_scoped3A_67 = tpu.sem_alloc : memref<!tpu.dma_semaphore, #tpu.memory_space<semaphore_mem>>
      %dma_start3A_68 = tpu.memref_slice %arg7[%mul3A_61] : memref<320000xf32, #tpu.memory_space<hbm>> -> memref<10000xf32, #tpu.memory_space<hbm>>
      %dma_start3A_69 = tpu.memref_slice %arg7[%mul3A_61] : memref<320000xf32, #tpu.memory_space<hbm>> -> memref<10000xf32, #tpu.memory_space<hbm>>
      tpu.enqueue_dma source(%arg12 : memref<10000xf32, #tpu.memory_space<vmem>>) target(%dma_start3A_69 : memref<10000xf32, #tpu.memory_space<hbm>>) target_semaphore(%run_scoped3A_67 : memref<!tpu.dma_semaphore, #tpu.memory_space<semaphore_mem>>)
      %dma_wait3A_70 = tpu.memref_slice %arg7[%mul3A_61] : memref<320000xf32, #tpu.memory_space<hbm>> -> memref<10000xf32, #tpu.memory_space<hbm>>
      %dma_wait3A_71 = tpu.memref_slice %arg7[%mul3A_61] : memref<320000xf32, #tpu.memory_space<hbm>> -> memref<10000xf32, #tpu.memory_space<hbm>>
      tpu.wait_dma2 semaphore(%run_scoped3A_67 : memref<!tpu.dma_semaphore, #tpu.memory_space<semaphore_mem>>) src(%arg12 : memref<10000xf32, #tpu.memory_space<vmem>>) dst(%dma_wait3A_71 : memref<10000xf32, #tpu.memory_space<hbm>>)
      tpu.yield
    }) : () -> ()
    %barrier3A_62 = arith.constant 0 : index
    tpu.barrier barrier_id(%barrier3A_62)
    %mul3A_63 = arith.constant 625 : i32
    %mul3A_64 = arith.muli %arg1, %mul3A_63 : i32
    %mul3A_65 = arith.constant 625 : i32
    %mul3A_66 = arith.muli %arg1, %mul3A_65 : i32
    "tpu.region"() ({
      %run_scoped3A_67 = tpu.sem_alloc : memref<!tpu.dma_semaphore, #tpu.memory_space<semaphore_mem>>
      %dma_start3A_68 = arith.constant 0 : i32
      %dma_start3A_69 = tpu.memref_slice %arg8[%arg0, %mul3A_66, %dma_start3A_68] : memref<2x10000x64xf32, #tpu.memory_space<hbm>> -> memref<1x625x64xf32, #tpu.memory_space<hbm>>
      %dma_start3A_70 = tpu.memref_squeeze %dma_start3A_69 : memref<1x625x64xf32, #tpu.memory_space<hbm>> -> memref<625x64xf32, #tpu.memory_space<hbm>>
      %dma_start3A_71 = arith.constant 0 : i32
      %dma_start3A_72 = tpu.memref_slice %arg18[%mul3A_64, %dma_start3A_71] : memref<10000x64xf32, #tpu.memory_space<vmem_shared>> -> memref<625x64xf32, #tpu.memory_space<vmem_shared>>
      tpu.enqueue_dma source(%dma_start3A_72 : memref<625x64xf32, #tpu.memory_space<vmem_shared>>) target(%dma_start3A_70 : memref<625x64xf32, #tpu.memory_space<hbm>>) target_semaphore(%run_scoped3A_67 : memref<!tpu.dma_semaphore, #tpu.memory_space<semaphore_mem>>)
      %dma_wait3A_73 = arith.constant 0 : i32
      %dma_wait3A_74 = tpu.memref_slice %arg8[%arg0, %mul3A_66, %dma_wait3A_73] : memref<2x10000x64xf32, #tpu.memory_space<hbm>> -> memref<1x625x64xf32, #tpu.memory_space<hbm>>
      %dma_wait3A_75 = tpu.memref_squeeze %dma_wait3A_74 : memref<1x625x64xf32, #tpu.memory_space<hbm>> -> memref<625x64xf32, #tpu.memory_space<hbm>>
      %dma_wait3A_76 = arith.constant 0 : i32
      %dma_wait3A_77 = tpu.memref_slice %arg18[%mul3A_64, %dma_wait3A_76] : memref<10000x64xf32, #tpu.memory_space<vmem_shared>> -> memref<625x64xf32, #tpu.memory_space<vmem_shared>>
      tpu.wait_dma2 semaphore(%run_scoped3A_67 : memref<!tpu.dma_semaphore, #tpu.memory_space<semaphore_mem>>) src(%dma_wait3A_77 : memref<625x64xf32, #tpu.memory_space<vmem_shared>>) dst(%dma_wait3A_75 : memref<625x64xf32, #tpu.memory_space<hbm>>)
      tpu.yield
    }) : () -> ()
    return
  }
}

module attributes {stable_mosaic.version = 14 : i64} {
  func.func @_tc_prep(%arg0: memref<10000x128xf32, #tpu.memory_space<vmem>>, %arg1: memref<128x128xf32, #tpu.memory_space<vmem>>, %arg2: memref<10000x1xf32, #tpu.memory_space<vmem>>, %arg3: memref<10000x128xf32, #tpu.memory_space<vmem>>, %arg4: memref<10000x1xf32, #tpu.memory_space<vmem>>) attributes {dimension_semantics = [], scalar_prefetch = 0 : i64, scratch_operands = 0 : i64, tpu.core_type = #tpu.core_type<tc>} {
    %get3A = arith.constant 0 : index
    %get3A_0 = arith.constant 0 : index
    %get3A_1 = vector.load %arg0[%get3A, %get3A_0] : memref<10000x128xf32, #tpu.memory_space<vmem>>, vector<10000x128xf32>
    %get3A_2 = arith.constant 0 : index
    %get3A_3 = arith.constant 0 : index
    %get3A_4 = vector.load %arg1[%get3A_2, %get3A_3] : memref<128x128xf32, #tpu.memory_space<vmem>>, vector<128x128xf32>
    %dot_general3A = arith.constant dense<0.000000e+00> : vector<10000x128xf32>
    %dot_general3A_5 = tpu.matmul %get3A_1, %get3A_4, %dot_general3A {dimension_numbers = #tpu.dot_dimension_numbers<[1], [0], [0], [1], [0, 0, 1, 1], [], []>, transpose_lhs_hint = false} : vector<10000x128xf32>, vector<128x128xf32>, vector<10000x128xf32> -> vector<10000x128xf32>
    %swap3A = arith.constant 0 : index
    %swap3A_6 = arith.constant 0 : index
    %swap3A_7 = vector.load %arg3[%swap3A, %swap3A_6] : memref<10000x128xf32, #tpu.memory_space<vmem>>, vector<10000x128xf32>
    tpu.vector_store %arg3[%swap3A, %swap3A_6], %dot_general3A_5 {strides = array<i32>} : memref<10000x128xf32, #tpu.memory_space<vmem>>, vector<10000x128xf32>,
    %get3A_8 = arith.constant 0 : index
    %get3A_9 = arith.constant 0 : index
    %get3A_10 = vector.load %arg2[%get3A_8, %get3A_9] : memref<10000x1xf32, #tpu.memory_space<vmem>>, vector<10000x1xf32>
    %logistic3A = arith.negf %get3A_10 : vector<10000x1xf32>
    %logistic3A_11 = math.exp %logistic3A : vector<10000x1xf32>
    %logistic3A_12 = arith.constant 1.000000e+00 : f32
    %logistic3A_13 = vector.broadcast %logistic3A_12 : f32 to vector<10000x1xf32>
    %logistic3A_14 = arith.addf %logistic3A_13, %logistic3A_11 : vector<10000x1xf32>
    %logistic3A_15 = arith.divf %logistic3A_13, %logistic3A_14 : vector<10000x1xf32>
    %swap3A_16 = arith.constant 0 : index
    %swap3A_17 = arith.constant 0 : index
    %swap3A_18 = vector.load %arg4[%swap3A_16, %swap3A_17] : memref<10000x1xf32, #tpu.memory_space<vmem>>, vector<10000x1xf32>
    tpu.vector_store %arg4[%swap3A_16, %swap3A_17], %logistic3A_15 {strides = array<i32>} : memref<10000x1xf32, #tpu.memory_space<vmem>>, vector<10000x1xf32>,
    return
  }
}

module attributes {stable_mosaic.version = 14 : i64} {
  func.func @_tc_combine(%arg0: memref<2x10000x64xf32, #tpu.memory_space<vmem>>, %arg1: memref<10000x64xf32, #tpu.memory_space<vmem>>) attributes {dimension_semantics = [], scalar_prefetch = 0 : i64, scratch_operands = 0 : i64, tpu.core_type = #tpu.core_type<tc>} {
    %get3A = arith.constant 0 : index
    %get3A_0 = arith.constant 0 : index
    %get3A_1 = arith.constant 0 : index
    %get3A_2 = vector.load %arg0[%get3A, %get3A_0, %get3A_1] : memref<2x10000x64xf32, #tpu.memory_space<vmem>>, vector<1x10000x64xf32>
    %get3A_3 = vector.shape_cast %get3A_2 : vector<1x10000x64xf32> to vector<10000x64xf32>
    %get3A_4 = arith.constant 1 : index
    %get3A_5 = arith.constant 0 : index
    %get3A_6 = arith.constant 0 : index
    %get3A_7 = vector.load %arg0[%get3A_4, %get3A_5, %get3A_6] : memref<2x10000x64xf32, #tpu.memory_space<vmem>>, vector<1x10000x64xf32>
    %get3A_8 = vector.shape_cast %get3A_7 : vector<1x10000x64xf32> to vector<10000x64xf32>
    %add3A = arith.addf %get3A_3, %get3A_8 : vector<10000x64xf32>
    %swap3A = arith.constant 0 : index
    %swap3A_9 = arith.constant 0 : index
    %swap3A_10 = vector.load %arg1[%swap3A, %swap3A_9] : memref<10000x64xf32, #tpu.memory_space<vmem>>, vector<10000x64xf32>
    tpu.vector_store %arg1[%swap3A, %swap3A_9], %add3A {strides = array<i32>} : memref<10000x64xf32, #tpu.memory_space<vmem>>, vector<10000x64xf32>,
    return
  }
}

</mosaic_0001>

<sc_bundles>
// kernel: kernel.6.cloned.1.call-start
scs
__scs_entry_jumppad:
0x0: {  	(pc) =	sbr.rel $0x88, $3  }
0x1: {  	(tag) =	ssettag $0x0;
	lr =	simm.s32 $0x1  }
0x2: {  	[smem:$0x3F9C] =	sst lr;
	_ =	strace $0xD0000000  }
0x3: {  	_ = 	snop  }
0x4: {  	_ = 	snop  }
0x5: {  	_ = 	snop  }
0x6: {  	_ = 	snop  }
0x7: {  	_ = 	snop  }
__scs_overlays_trampoline_lowered:
0x8: {  	[smem:$0x3FAB] =	sst s0  }
0x9: {  	[smem:$0x3FAC] =	sst s1  }
0xa: {  	[smem:$0x3FAD] =	sst s2  }
0xb: {  	[smem:$0x3FAE] =	sst s3  }
0xc: {  	[smem:$0x3FAF] =	sst s4  }
0xd: {  	[smem:$0x3FB0] =	sst s5  }
0xe: {  	[smem:$0x3FB1] =	sst s6  }
0xf: {  	[smem:$0x3FB2] =	sst s7  }
0x10: {  	[smem:$0x3FB3] =	sst s8  }
0x11: {  	[smem:$0x3FB4] =	sst s9;
	s0 =	simm.s32 @!p0 $0x0  }
0x12: {  	s1 =	sld [smem:$0x3F9A];
	s0 =	simm.s32 @p0 $0x1  }
0x13: {  	[smem:$0x3FB5] =	sst s0;
	s0 =	simm.s32 @!p1 $0x0  }
0x14: {  	s2 =	sld [smem:$0x3F99];
	s0 =	simm.s32 @p1 $0x1  }
0x15: {  	[smem:$0x3FB6] =	sst s0;
	s0 =	simm.s32 @!p2 $0x0  }
0x16: {  	s3 =	sld [smem:$0x3FDB];
	s0 =	simm.s32 @p2 $0x1  }
0x17: {  	s4 =	simm.s32 $0x1BF5;
	[smem:$0x3FB8] =	sst s0  }
0x18: {  	s0 =	sld [smem:$0x3F9B];
	_ =	swait.ge [sflag:s4], $0x0  }
0x19: {  	s7 =	sld [smem:$0x3F9C]  }
0x1a: {  	s8 =	sadd.s32 $0xFFFFE003, lr  }
0x1b: {  	s9 =	sadd.s32 $0xFFFFFEF7, lr;
	s5 =	simm.s32 $0xFFFFFFFF;
	p2 =	slt.u32 s8, $0xFFFFF086  }
0x1c: {  	p1 =	slt.u32 s9, $0xF7A;
	s5 =	simm.s32 @!p2 $0x0  }
0x1d: {  	s5 =	simm.s32 @p1 $0x1;
	p0 =	seq.s32 s7, s2  }
0x1e: {  	s7 =	smul.u32 @!p0 $0xF7A, s2;
	p2 =	seq.s32 @!p0 s5, $0x0  }
0x1f: {  	s9 =	smul.u32 $0xF7A, s1;
	s8 =	simm.s32 @!p0 $0x1BF5;
	p2 =	por !p2, p0  }
0x20: {  	[sflag:s8] =	ssyncset.s32 @!p0 $0xFFFFF086;
	s6 =	sadd.s32 @!p0 s3, s7;
	s7 =	simm.s32 @!p0 $0x108  }
0x21: {  	s3 =	sadd.s32 s3, s9;
	s6 =	sadd.s32 @!p0 $0x88, s6;
	s7 =	simm.s32 @p2 $0x1082  }
0x22: {  	[simem:s7], [sflag:s8] =	dma.local @!p0 [hbm:s6], $0xF7A  }
0x23: {  	s9 =	sor.u32 $0xD0000000, s2;
	s6 =	simm.s32 $0x108;
	_ =	swait.ge @!p0 [sflag:s8], $0x0  }
0x24: {  	s3 =	sadd.s32 $0x88, s3;
	s6 =	simm.s32 @!p1 $0x1082;
	[sflag:s4] =	ssyncset.s32 $0xFFFFF086  }
0x25: {  	[simem:s6], [sflag:s4] =	dma.local [hbm:s3], $0xF7A  }
0x26: {  	[smem:$0x3F9C] =	sst s1;
	(tag) =	ssettag s2;
	_ =	strace s9  }
0x27: {  	s1 =	sld [smem:$0x3FAC]  }
0x28: {  	s2 =	sld [smem:$0x3FAD]  }
0x29: {  	s4 =	sld [smem:$0x3FAF]  }
0x2a: {  	p0 =	seq.s32 s5, $0x0;
	s5 =	sld [smem:$0x3FB0]  }
0x2b: {  	s6 =	sld [smem:$0x3FB1]  }
0x2c: {  	s7 =	sld [smem:$0x3FB2]  }
0x2d: {  	s3 =	simm.s32 $0x108;
	s8 =	sld [smem:$0x3FB3]  }
0x2e: {  	s3 =	simm.s32 @!p0 $0x1082;
	s9 =	sld [smem:$0x3FB4]  }
0x2f: {  	lr =	sadd.s32 s0, s3;
	s0 =	sld [smem:$0x3FAB]  }
0x30: {  	s3 =	sld [smem:$0x3FAE]  }
0x31: {  	[smem:$0x3FB7] =	sst s10  }
0x32: {  	s10 =	sld [smem:$0x3FB5];
	_ =	sdelay $0x3  }
0x33: {  	p0 =	seq.s32 s10, $0x1;
	s10 =	sld [smem:$0x3FB7];
	_ =	sdelay $0x3  }
0x34: {  	[smem:$0x3FB7] =	sst s10  }
0x35: {  	s10 =	sld [smem:$0x3FB6];
	_ =	sdelay $0x3  }
0x36: {  	p1 =	seq.s32 s10, $0x1;
	s10 =	sld [smem:$0x3FB7];
	_ =	sdelay $0x3  }
0x37: {  	[smem:$0x3FB7] =	sst s10  }
0x38: {  	s10 =	sld [smem:$0x3FB8]  }
0x39: {  	_ = 	snop;
	(pc) =	sbr.ind lr, $3  }
0x3a: {  	_ = 	snop  }
0x3b: {  	_ = 	snop  }
0x3c: {  	p2 =	seq.s32 s10, $0x1;
	s10 =	sld [smem:$0x3FB7]  }
0x3d: {  	_ =	shalt  }
0x3e: {  	_ =	shalt  }
0x3f: {  	_ =	shalt  }
0x40: {  	_ =	shalt  }
0x41: {  	_ =	shalt  }
0x42: {  	_ =	shalt  }
0x43: {  	_ =	shalt  }
0x44: {  	_ =	shalt  }
0x45: {  	_ =	shalt  }
0x46: {  	_ =	shalt  }
0x47: {  	_ =	shalt  }
0x48: {  	_ =	shalt  }
0x49: {  	_ =	shalt  }
0x4a: {  	_ =	shalt  }
0x4b: {  	_ =	shalt  }
0x4c: {  	_ =	shalt  }
0x4d: {  	_ =	shalt  }
0x4e: {  	_ =	shalt  }
0x4f: {  	_ =	shalt  }
0x50: {  	_ =	shalt  }
0x51: {  	_ =	shalt  }
0x52: {  	_ =	shalt  }
0x53: {  	_ =	shalt  }
0x54: {  	_ =	shalt  }
0x55: {  	_ =	shalt  }
0x56: {  	_ =	shalt  }
0x57: {  	_ =	shalt  }
0x58: {  	_ =	shalt  }
0x59: {  	_ =	shalt  }
0x5a: {  	_ =	shalt  }
0x5b: {  	_ =	shalt  }
0x5c: {  	_ =	shalt  }
0x5d: {  	_ =	shalt  }
0x5e: {  	_ =	shalt  }
0x5f: {  	_ =	shalt  }
0x60: {  	_ =	shalt  }
0x61: {  	_ =	shalt  }
0x62: {  	_ =	shalt  }
0x63: {  	_ =	shalt  }
0x64: {  	_ =	shalt  }
0x65: {  	_ =	shalt  }
0x66: {  	_ =	shalt  }
0x67: {  	_ =	shalt  }
0x68: {  	_ =	shalt  }
0x69: {  	_ =	shalt  }
0x6a: {  	_ =	shalt  }
0x6b: {  	_ =	shalt  }
0x6c: {  	_ =	shalt  }
0x6d: {  	_ =	shalt  }
0x6e: {  	_ =	shalt  }
0x6f: {  	_ =	shalt  }
0x70: {  	_ =	shalt  }
0x71: {  	_ =	shalt  }
0x72: {  	_ =	shalt  }
0x73: {  	_ =	shalt  }
0x74: {  	_ =	shalt  }
0x75: {  	_ =	shalt  }
0x76: {  	_ =	shalt  }
0x77: {  	_ =	shalt  }
0x78: {  	_ =	shalt  }
0x79: {  	_ =	shalt  }
0x7a: {  	_ =	shalt  }
0x7b: {  	_ =	shalt  }
0x7c: {  	_ =	shalt  }
0x7d: {  	_ =	shalt  }
0x7e: {  	_ =	shalt  }
0x7f: {  	_ =	shalt  }
0x80: {  	_ =	shalt  }
0x81: {  	_ =	shalt  }
0x82: {  	_ =	shalt  }
0x83: {  	_ =	shalt  }
0x84: {  	_ =	shalt  }
0x85: {  	_ =	shalt  }
0x86: {  	_ =	shalt  }
0x87: {  	_ =	shalt  }
.Lfunc_end0:
.L_simem_size_0:
called_computation_lowered:
.L_overlay_start_0:
0x88: {  	s2 =	sld [smem:$0x3FD9]  }
0x89: {  	s3 =	sld [smem:$0x3FFE];
	_ =	sdelay $0x1  }
0x8a: {  	s1 =	srdreg.scid  }
0x8b: {  	s0 =	sand.u32 $0x1, s1  }
0x8c: {  	s16 =	sshll.u32 s0, $0xA;
	s2 =	sadd.s32 s3, s2  }
0x8d: {  	s2 =	sadd.s32 s2, s16  }
0x8e: {  	[smem:$0x3FC3] =	sst s2  }
0x8f: {  	_ = 	snop  }
0x90: {  	(tm) =	ssettm $0x1  }
0x91: {  	s17 =	sld [smem:$0x3FFB];
	_ =	sdelay $0x3  }
0x92: {  	_ =	strace s17  }
0x93: {  	s2 =	sld [smem:$0x3FFC];
	_ =	sdelay $0x3  }
0x94: {  	_ =	strace s2  }
0x95: {  	s2 =	sld [smem:$0x3FFD];
	_ =	sdelay $0x3  }
0x96: {  	_ =	strace s2  }
0x97: {  	_ =	strace $0x8FFFFFFF  }
0x98: {  	s18 =	sld [smem:$0x3FDB];
	_ =	sdelay $0x1  }
0x99: {  	s19 =	simm.s32 $_scs_section_size  }
0x9a: {  	s4 =	simm.s32 $_size__tile_overlayer_lowered;
	s5 =	simm.s32 $_tile_overlayer_lowered  }
0x9b: {  	s22 =	simm.s32 $0x1BFF;
	s21 =	sshll.u32 s5, $0x1;
	s2 =	sadd.s32 s19, s18  }
0x9c: {  	s6 =	simm.s32 $0x0;
	s20 =	sshll.u32 s4, $0x1;
	s4 =	sadd.s32 s21, s2  }
0x9d: {  	[timem:s6], [sflag:s22] =	dma.local [hbm:s4], s20  }
0x9e: {  	_ =	swait.ge [sflag:s22], s20  }
0x9f: {  	s3 =	ssub.s32 $0x0, s20;
	[sflag:s22] =	ssyncset.done $0x0  }
0xa0: {  	[sflag:s22] =	ssyncadd.s32 s3;
	_ =	sdelay $0x1  }
0xa1: {  	s23 =	simm.s32 $0x1B8B  }
0xa2: {  	_ =	swait.ge [sflag:s23], $0x1  }
0xa3: {  	[sflag:s23] =	ssyncset.done $0x0  }
0xa4: {  	s25 =	simm.s32 $0x1B8E;
	s24 =	sld [smem:$0x3FFE];
	[sflag:s23] =	ssyncadd.s32 $0xFFFFFFFF  }
0xa5: {  	s26 =	simm.s32 $execute0_lowered;
	[smem:$0x3FD2] =	sst s25  }
0xa6: {  	s4 =	sshll.u32 s26, $0x1;
	_ =	strace $0x80000046;
	[dreg:$0x1] =	wrdreg $0xFFFFFFFF  }
0xa7: {  	s28 =	simm.s32 $_size_execute0_lowered;
	s2 =	sadd.s32 s2, s4;
	[dreg:$0x0] =	wrdreg $0x0  }
0xa8: {  	s4 =	sshll.u32 s28, $0x1;
	[dreg:$0x2] =	wrdreg s2  }
0xa9: {  	[dreg:$0x3] =	wrdreg s4  }
0xaa: {  	[dreg:$0x4] =	wrdreg $0xC0  }
0xab: {  	_ =	task [dreg:s6], $0x5FFFF  }
0xac: {  	[dreg:$0x1] =	wrdreg $0xFFFFFFFF  }
0xad: {  	[dreg:$0x0] =	wrdreg $0x60  }
0xae: {  	[dreg:$0x2] =	wrdreg s24  }
0xaf: {  	[dreg:$0x3] =	wrdreg $0x117B00  }
0xb0: {  	[dreg:$0x4] =	wrdreg $0x9  }
0xb1: {  	_ =	task.clear_ibuf [dreg:s6], $0x5FFFF;
	_ =	strace $0x90000046  }
0xb2: {  	s29 =	simm.s32 $0x9;
	_ =	strace $0x80000048  }
0xb3: {  	_ =	swait.ge [sflag:s29], $0x1  }
0xb4: {  	[sflag:s29] =	ssyncadd.s32 $0xFFFFFFFF  }
0xb5: {  	_ =	strace $0x90000048  }
0xb6: {  	_ =	sfence  }
0xb7: {  	s30 =	sld [smem:$0x0];
	_ =	sdelay $0x2  }
0xb8: {  	s31 =	sshll.u32 s1, $0xD;
	s1 =	sshrl.u32 s1, $0x2  }
0xb9: {  	s3 =	sand.u32 $0x4000, s31;
	s1 =	sadd.s32 s1, s30  }
0xba: {  	s0 =	sor.u32 s3, s0;
	s1 =	sshll.u32 s1, $0x11  }
0xbb: {  	s0 =	sor.u32 s1, s0  }
0xbc: {  	s0 =	sadd.s32 $0x8F2B, s0  }
0xbd: {  	[sflag:s0] =	ssyncadd.remote.s32 $0x1  }
0xbe: {  	_ =	sfence.sel $0xFFFF  }
0xbf: {  	[dreg:$0x0] =	wrdreg $0xFFFFFFFF;
	(pc) =	sbr.abs _section_cstart, $3  }
0xc0: {  	[dreg:$0x1] =	wrdreg $0xFFFFFFFF  }
0xc1: {  	_ =	task.clear_ibuf [dreg:s6], $0x2FFFF;
	_ =	strace $0x9FFFFFFF  }
0xc2: {  	(tm) =	ssettm $0x7FFFFFFF  }
0xc3: {  	_ =	shalt  }
tec
execute0_lowered:
.L_overlay_start_1:
0x0: {  	(tag) =	ssettag $0x1  }
0x1: {  	s0 =	rddreg [dreg:$0x0]  }
0x2: {  	s2 =	srdreg.scid;
	s24 =	stileid.u32  }
0x3: {  	s1 =	rddreg [dreg:$0x1];
	s10 =	simm.s32 $0x11530;
	s11 =	simm.s32 $0x6  }
0x4: {  	s12 =	simm.s32 $0x2710;
	s13 =	simm.s32 $0x50;
	s14 =	simm.s32 $0x4E20  }
0x5: {  	s15 =	simm.s32 $0x7620;
	s16 =	simm.s32 $0x1;
	s17 =	simm.s32 $0x2  }
0x6: {  	s18 =	simm.s32 $0x3;
	s19 =	simm.s32 $0x4;
	s20 =	simm.s32 $0x9E20  }
0x7: {  	s21 =	simm.s32 $0xC620;
	s22 =	simm.s32 $0xEE20;
	s23 =	simm.s32 $0x5  }
0x8: {  	s4 =	sand.u32 $0x1, s2;
	s3 =	sshll.u32 s24, $0x1;
	s2 =	simm.s32 $0x0  }
0x9: {  	s6 =	smul.u32 $0xA00, s24;
	p0 =	sne.s32 s24, $0x0;
	s24 =	simm.s32 $0x0  }
0xa: {  	s3 =	sor.u32 s4, s3;
	[smem:$0x7FF] =	sst s2;
	s7 =	smul.u32 $0x4E2, s4  }
0xb: {  	s4 =	ssub.s32 $0x2, s4;
	s5 =	smul.u32 $0x4E2, s3;
	_ =	strace $0x80000047  }
0xc: {  	s3 =	sadd.s32 $0x14A00, s0;
	s31 =	sshrl.u32 s4, $0x1;
	s6 =	sshrl.u32 s6, $0x2  }
0xd: {  	s9 =	ssub.s32 s4, s31;
	s4 =	sadd.s32 s6, s1;
	s8 =	sadd.s32 s5, s0  }
0xe: {  	v1 =	vlaneseq.u32;
	v2 =	vimm.s32 $0x0;
	vm0 =	vcmask $0x300;
	s0 =	sadd.s32 s7, s0;
	s9 =	smax.u32 s9, $0x1;
	s5 =	sadd.s32 $0xAC00, s8  }
0xf: {  	v0 =	vimm.f32 $0.0e+00;
	v1 =	vmul.u32 $0x80, v1;
	v2 =	vsel vm0, $0x3, v2;
	s6 =	sadd.s32 $0xE00, s8;
	s7 =	sadd.s32 $0x3BC00, s8;
	s8 =	sadd.s32 $0x45A00, s0  }
.LBB2_1:
0x10: {  	[tilespmem:$0x11530] =	vst v0  }
0x11: {  	[tilespmem:$0x11540] =	vst v0  }
0x12: {  	[tilespmem:$0x11550] =	vst v0  }
0x13: {  	[tilespmem:$0x11560] =	vst v0  }
0x14: {  	[tilespmem:$0x11570] =	vst v0  }
0x15: {  	[tilespmem:$0x11580] =	vst v0  }
0x16: {  	[tilespmem:$0x11590] =	vst v0  }
0x17: {  	[tilespmem:$0x115A0] =	vst v0  }
0x18: {  	[tilespmem:$0x115B0] =	vst v0  }
0x19: {  	[tilespmem:$0x115C0] =	vst v0  }
0x1a: {  	[tilespmem:$0x115D0] =	vst v0  }
0x1b: {  	[tilespmem:$0x115E0] =	vst v0  }
0x1c: {  	[tilespmem:$0x115F0] =	vst v0  }
0x1d: {  	[tilespmem:$0x11600] =	vst v0  }
0x1e: {  	[tilespmem:$0x11610] =	vst v0  }
0x1f: {  	[tilespmem:$0x11620] =	vst v0  }
0x20: {  	[tilespmem:$0x11630] =	vst v0  }
0x21: {  	[tilespmem:$0x11640] =	vst v0  }
0x22: {  	[tilespmem:$0x11650] =	vst v0  }
0x23: {  	[tilespmem:$0x11660] =	vst v0  }
0x24: {  	[tilespmem:$0x11670] =	vst v0  }
0x25: {  	[tilespmem:$0x11680] =	vst v0  }
0x26: {  	[tilespmem:$0x11690] =	vst v0  }
0x27: {  	[tilespmem:$0x116A0] =	vst v0  }
0x28: {  	[tilespmem:$0x116B0] =	vst v0  }
0x29: {  	[tilespmem:$0x116C0] =	vst v0  }
0x2a: {  	[tilespmem:$0x116D0] =	vst v0  }
0x2b: {  	[tilespmem:$0x116E0] =	vst v0  }
0x2c: {  	[tilespmem:$0x116F0] =	vst v0  }
0x2d: {  	[tilespmem:$0x11700] =	vst v0  }
0x2e: {  	[tilespmem:$0x11710] =	vst v0  }
0x2f: {  	[tilespmem:$0x11720] =	vst v0  }
0x30: {  	[tilespmem:$0x11730] =	vst v0  }
0x31: {  	[tilespmem:$0x11740] =	vst v0  }
0x32: {  	[tilespmem:$0x11750] =	vst v0  }
0x33: {  	[tilespmem:$0x11760] =	vst v0  }
0x34: {  	[tilespmem:$0x11770] =	vst v0  }
0x35: {  	[tilespmem:$0x11780] =	vst v0  }
0x36: {  	[tilespmem:$0x11790] =	vst v0  }
0x37: {  	[tilespmem:$0x117A0] =	vst v0  }
0x38: {  	[spmem:s4] =	stream.linear.scatter [tilespmem:s10], [sflag:$0x6], $0x280, $0x38;
	[tilespmem:$0x11A30] =	vst v63  }
0x39: {  	_ =	swait.ge [sflag:s11], $0x280  }
0x3a: {  	[sflag:s11] =	ssyncset.done $0x0  }
0x3b: {  	[sflag:s11] =	ssyncadd.s32 $0xFFFFFD80  }
0x3c: {  	[tilespmem:s2], [sflag:$0x6] =	stream.linear.gather [hbm4b:s5+s2], $0x2710, $0x38;
	[tilespmem:$0x11A30] =	vst v63  }
0x3d: {  	_ =	swait.ge [sflag:s11], $0x2710  }
0x3e: {  	[sflag:s11] =	ssyncset.done $0x0  }
0x3f: {  	[sflag:s11] =	ssyncadd.s32 $0xFFFFD8F0  }
0x40: {  	[tilespmem:s12], [sflag:$0x6] =	stream.linear.gather [hbm4b:s6+s2], $0x2710, $0x38;
	[tilespmem:$0x11A30] =	vst v63  }
0x41: {  	_ =	swait.ge [sflag:s11], $0x2710  }
0x42: {  	[sflag:s11] =	ssyncset.done $0x0  }
.Ltmp0:
0x43: {  	[sflag:s11] =	ssyncadd.s32 $0xFFFFD8F0;
	(pc) =	sbr.rel .LBB2_2-.Ltmp0, $4  }
0x44: {  	[bflag:$0x0] =	sbarrier.arrive $0xFFFF  }
0x45: {  	[tilespmem:s14], [sflag:$0x1] =	stream.indirect.gather [hbm4b:s3+s13], $0x80, s2, s13, $0xb8;
	[tilespmem:$0x11A30] =	vst v63  }
0x46: {  	s25 =	simm.s32 $0x0  }
0x47: {  	[tilespmem:s15], [sflag:$0x2] =	stream.indirect.gather [hbm4b:s3+s13], $0x80, s12, s13, $0xb8;
	[tilespmem:$0x11A30] =	vst v63  }
.LBB2_12:
0x48: {  	s25 =	sadd.s32 $0x1, s25  }
0x49: {  	p1 =	sne.s32 s25, $0x3F  }
.Ltmp1:
0x4a: {  	_ = 	snop;
	(pc) =	sbr.rel @!p1 .LBB2_13-.Ltmp1, $1  }
0x4b: {  	_ =	sdelay $0x3  }
.LBB2_2:
0x4c: {  	_ =	swait.ge [sflag:s16], $0x2800  }
0x4d: {  	[sflag:s16] =	ssyncset.done $0x0  }
0x4e: {  	s26 =	sshllo.u32 s25, $0x1;
	[sflag:s16] =	ssyncadd.s32 $0xFFFFD800  }
0x4f: {  	p1 =	sgt.u32 s26, $0x7C;
	_ =	swait.ge [sflag:s17], $0x2800  }
0x50: {  	s0 =	smul.u32 @!p1 $0x50, s26;
	[sflag:s17] =	ssyncset.done $0x0  }
0x51: {  	s28 =	simm.s32 @!p1 $0x50;
	s29 =	simm.s32 @!p1 $0x9E20;
	[sflag:s17] =	ssyncadd.s32 $0xFFFFD800  }
0x52: {  	[tilespmem:s29], [sflag:$0x3] =	stream.indirect.gather @!p1 [hbm4b:s3+s28], $0x80, s0, s28, $0xb8;
	[tilespmem:$0x11A30] =	vst v63  }
0x53: {  	s30 =	smul.u32 $0x280, s25;
	s0 =	sadd.s32 @!p1 $0x2710, s0;
	s29 =	simm.s32 @!p1 $0xC620  }
0x54: {  	[tilespmem:s29], [sflag:$0x4] =	stream.indirect.gather @!p1 [hbm4b:s3+s28], $0x80, s0, s28, $0xb8;
	[tilespmem:$0x11A30] =	vst v63  }
0x55: {  	s29 =	sshra.s32 s30, $0x2  }
0x56: {  	s28 =	sadd.s32 $0xEE20, s29  }
0x57: {  	s30 =	simm.s32 $0x0;
	v3 =	vmov s28  }
.LBB2_3:
0x58: {  	s0 =	simm.s32 $0x0  }
0x59: {  	v4 =	vmov s0  }
0x5a: {  	s31 =	sshll.u32 s30, $0x4;
	v4 =	vshrl.u32 v4, $0x3  }
0x5b: {  	v5 =	vmov s31;
	v6 =	vshll.u32 v4, v2  }
0x5c: {  	v4 =	vshll.u32 v5, $0x7;
	v5 =	vbroadcast v6, $0x0  }
0x5d: {  	v4 =	vor.u32 v1, v4;
	v7 =	vor.u32 $0x1, v6  }
0x5e: {  	v7 =	vbroadcast v7, $0x0;
	v5 =	vor.u32 v4, v5  }
0x5f: {  	v8 =	vor.u32 $0x2, v6  }
0x60: {  	v8 =	vbroadcast v8, $0x0;
	v7 =	vor.u32 v4, v7  }
0x61: {  	v9 =	vor.u32 $0x3, v6  }
0x62: {  	v10 =	vor.u32 $0x4, v6;
	v9 =	vbroadcast v9, $0x0;
	v8 =	vor.u32 v4, v8  }
0x63: {  	v10 =	vbroadcast v10, $0x0;
	v11 =	vld.idx.msk [tilespmem:v5+s14+$0x0], $0xffff  }
0x64: {  	v9 =	vor.u32 v4, v9;
	v12 =	vld.idx.msk [tilespmem:v5+s15+$0x0], $0xffff  }
0x65: {  	v10 =	vor.u32 v4, v10;
	v5 =	vor.u32 $0x5, v6;
	v13 =	vld.idx.msk [tilespmem:v7+s14+$0x0], $0xffff  }
0x66: {  	v5 =	vbroadcast v5, $0x0;
	v7 =	vld.idx.msk [tilespmem:v7+s15+$0x0], $0xffff  }
0x67: {  	v15 =	vor.u32 $0x6, v6;
	v16 =	vld.idx.msk [tilespmem:v8+s14+$0x0], $0xffff  }
0x68: {  	s0 =	simm.s32 $0x8;
	v15 =	vbroadcast v15, $0x0;
	v6 =	vor.u32 $0x7, v6;
	v8 =	vld.idx.msk [tilespmem:v8+s15+$0x0], $0xffff;
	v17 =	vor.u32 v4, v5  }
0x69: {  	v14 =	vmov s0;
	v6 =	vbroadcast v6, $0x0;
	v18 =	vld.idx.msk [tilespmem:v9+s15+$0x0], $0xffff  }
0x6a: {  	v14 =	vshrl.u32 v14, $0x3;
	v15 =	vor.u32 v4, v15;
	v20 =	vld.idx.msk [tilespmem:v10+s14+$0x0], $0xffff;
	v11 =	vmul.f32 v12, v11  }
0x6b: {  	v5 =	vshll.u32 v14, v2;
	v14 =	vld.idx.msk [tilespmem:v9+s14+$0x0], $0xffff;
	v9 =	vimm.f32 $0.0e+00;
	v22 =	vor.u32 v4, v6  }
0x6c: {  	v21 =	vld.idx.msk [tilespmem:v10+s15+$0x0], $0xffff;
	v12 =	vbroadcast v5, $0x0;
	v7 =	vmul.f32 v7, v13;
	v9 =	vadd.f32 v11, v9  }
0x6d: {  	v13 =	vor.u32 $0x2, v5;
	v8 =	vmul.f32 v8, v16;
	v11 =	vor.u32 $0x1, v5;
	v6 =	vld.idx.msk [tilespmem:v17+s14+$0x0], $0xffff  }
0x6e: {  	v10 =	vor.u32 v4, v12;
	v12 =	vld.idx.msk [tilespmem:v17+s15+$0x0], $0xffff;
	v11 =	vbroadcast v11, $0x0;
	v7 =	vadd.f32 v7, v9  }
0x6f: {  	v16 =	vor.u32 $0x3, v5;
	v17 =	vbroadcast v13, $0x0;
	v9 =	vld.idx.msk [tilespmem:v15+s14+$0x0], $0xffff  }
0x70: {  	v14 =	vmul.f32 v18, v14;
	v15 =	vld.idx.msk [tilespmem:v15+s15+$0x0], $0xffff;
	v13 =	vor.u32 v4, v11;
	v8 =	vadd.f32 v8, v7  }
0x71: {  	v20 =	vmul.f32 v21, v20;
	v16 =	vbroadcast v16, $0x0;
	v7 =	vld.idx.msk [tilespmem:v22+s14+$0x0], $0xffff  }
0x72: {  	v18 =	vor.u32 $0x4, v5;
	v11 =	vor.u32 v4, v17;
	v19 =	vadd.f32 v14, v8;
	v14 =	vld.idx.msk [tilespmem:v22+s15+$0x0], $0xffff  }
0x73: {  	v17 =	vbroadcast v18, $0x0;
	v18 =	vor.u32 $0x5, v5;
	v8 =	vld.idx.msk [tilespmem:v10+s14+$0x0], $0xffff  }
.LBB2_4:
0x74: {  	s0 =	sadd.s32 $0x8, s0;
	v10 =	vld.idx.msk [tilespmem:v10+s15+$0x0], $0xffff;
	v16 =	vor.u32 v4, v16;
	v19 =	vadd.f32 v20, v19;
	v6 =	vmul.f32 v12, v6  }
0x75: {  	v18 =	vbroadcast v18, $0x0;
	v21 =	vor.u32 $0x6, v5;
	v12 =	vmov s0;
	v20 =	vld.idx.msk [tilespmem:v13+s14+$0x0], $0xffff  }
0x76: {  	v17 =	vor.u32 v4, v17;
	v9 =	vmul.f32 v15, v9;
	v13 =	vld.idx.msk [tilespmem:v13+s15+$0x0], $0xffff;
	v6 =	vadd.f32 v6, v19  }
0x77: {  	v12 =	vshrl.u32 v12, $0x3;
	v19 =	vbroadcast v21, $0x0;
	v21 =	vor.u32 $0x7, v5;
	v15 =	vld.idx.msk [tilespmem:v11+s14+$0x0], $0xffff  }
0x78: {  	v18 =	vor.u32 v4, v18;
	v7 =	vmul.f32 v14, v7;
	v11 =	vld.idx.msk [tilespmem:v11+s15+$0x0], $0xffff;
	v6 =	vadd.f32 v9, v6  }
0x79: {  	p2 =	slt.u32 s0, $0x78;
	v5 =	vshll.u32 v12, v2;
	v9 =	vbroadcast v21, $0x0;
	v14 =	vld.idx.msk [tilespmem:v16+s14+$0x0], $0xffff  }
0x7a: {  	v19 =	vor.u32 v4, v19;
	v8 =	vmul.f32 v10, v8;
	v16 =	vld.idx.msk [tilespmem:v16+s15+$0x0], $0xffff;
	v6 =	vadd.f32 v7, v6  }
0x7b: {  	v10 =	vor.u32 $0x1, v5;
	v7 =	vbroadcast v5, $0x0;
	v21 =	vld.idx.msk [tilespmem:v17+s14+$0x0], $0xffff  }
0x7c: {  	v22 =	vor.u32 v4, v9;
	v12 =	vmul.f32 v13, v20;
	v8 =	vadd.f32 v8, v6;
	v17 =	vld.idx.msk [tilespmem:v17+s15+$0x0], $0xffff  }
0x7d: {  	v9 =	vor.u32 $0x2, v5;
	v13 =	vbroadcast v10, $0x0;
	v6 =	vld.idx.msk [tilespmem:v18+s14+$0x0], $0xffff  }
0x7e: {  	v10 =	vor.u32 v4, v7;
	v7 =	vadd.f32 v12, v8;
	v8 =	vmul.f32 v11, v15;
	v12 =	vld.idx.msk [tilespmem:v18+s15+$0x0], $0xffff  }
.Ltmp2:
0x7f: {  	v11 =	vbroadcast v9, $0x0;
	v18 =	vor.u32 $0x3, v5;
	v9 =	vld.idx.msk [tilespmem:v19+s14+$0x0], $0xffff;
	(pc) =	sbr.rel @p2 .LBB2_4-.Ltmp2, $4  }
0x80: {  	v13 =	vor.u32 v4, v13;
	v14 =	vmul.f32 v16, v14;
	v8 =	vadd.f32 v8, v7;
	v15 =	vld.idx.msk [tilespmem:v19+s15+$0x0], $0xffff  }
0x81: {  	v16 =	vbroadcast v18, $0x0;
	v18 =	vor.u32 $0x4, v5;
	v7 =	vld.idx.msk [tilespmem:v22+s14+$0x0], $0xffff  }
0x82: {  	v11 =	vor.u32 v4, v11;
	v20 =	vmul.f32 v17, v21;
	v19 =	vadd.f32 v14, v8;
	v14 =	vld.idx.msk [tilespmem:v22+s15+$0x0], $0xffff  }
0x83: {  	v17 =	vbroadcast v18, $0x0;
	v18 =	vor.u32 $0x5, v5;
	v8 =	vld.idx.msk [tilespmem:v10+s14+$0x0], $0xffff  }
0x84: {  	_ =	sdelay $0x2  }
0x85: {  	v19 =	vadd.f32 v20, v19;
	v6 =	vmul.f32 v12, v6  }
0x86: {  	v10 =	vld.idx.msk [tilespmem:v10+s15+$0x0], $0xffff;
	v43 =	vor.u32 v4, v16  }
0x87: {  	v44 =	vld.idx.msk [tilespmem:v13+s14+$0x0], $0xffff;
	v9 =	vmul.f32 v15, v9;
	v6 =	vadd.f32 v6, v19  }
0x88: {  	v45 =	vbroadcast v18, $0x0;
	v46 =	vld.idx.msk [tilespmem:v13+s15+$0x0], $0xffff;
	v17 =	vor.u32 v4, v17  }
0x89: {  	v47 =	vor.u32 $0x6, v5;
	v48 =	vld.idx.msk [tilespmem:v11+s14+$0x0], $0xffff;
	v7 =	vmul.f32 v14, v7;
	v6 =	vadd.f32 v9, v6  }
0x8a: {  	v50 =	vld.idx.msk [tilespmem:v11+s15+$0x0], $0xffff;
	v49 =	vbroadcast v47, $0x0;
	v51 =	vor.u32 v4, v45  }
0x8b: {  	v5 =	vor.u32 $0x7, v5;
	v52 =	vld.idx.msk [tilespmem:v43+s14+$0x0], $0xffff;
	v8 =	vmul.f32 v10, v8;
	v6 =	vadd.f32 v7, v6  }
0x8c: {  	v5 =	vbroadcast v5, $0x0;
	v9 =	vor.u32 v4, v49;
	v53 =	vld.idx.msk [tilespmem:v43+s15+$0x0], $0xffff  }
0x8d: {  	v55 =	vmul.f32 v46, v44;
	v54 =	vld.idx.msk [tilespmem:v17+s14+$0x0], $0xffff;
	v6 =	vadd.f32 v8, v6  }
0x8e: {  	v4 =	vor.u32 v4, v5;
	v56 =	vld.idx.msk [tilespmem:v17+s15+$0x0], $0xffff  }
0x8f: {  	v57 =	vmul.f32 v50, v48;
	v5 =	vld.idx.msk [tilespmem:v51+s14+$0x0], $0xffff;
	v6 =	vadd.f32 v55, v6  }
0x90: {  	v58 =	vld.idx.msk [tilespmem:v51+s15+$0x0], $0xffff  }
0x91: {  	v59 =	vld.idx.msk [tilespmem:v9+s14+$0x0], $0xffff;
	v7 =	vmul.f32 v53, v52;
	v6 =	vadd.f32 v57, v6  }
0x92: {  	v60 =	vld.idx.msk [tilespmem:v9+s15+$0x0], $0xffff  }
0x93: {  	v61 =	vld.idx.msk [tilespmem:v4+s14+$0x0], $0xffff;
	v62 =	vmul.f32 v56, v54;
	v6 =	vadd.f32 v7, v6  }
0x94: {  	v4 =	vld.idx.msk [tilespmem:v4+s15+$0x0], $0xffff  }
0x95: {  	v5 =	vmul.f32 v58, v5;
	v6 =	vadd.f32 v62, v6;
	_ =	sdelay $0x1  }
0x96: {  	v63 =	vmul.f32 v60, v59;
	v5 =	vadd.f32 v5, v6;
	_ =	sdelay $0x1  }
0x97: {  	v4 =	vmul.f32 v4, v61;
	v5 =	vadd.f32 v63, v5;
	_ =	sdelay $0x1  }
0x98: {  	v4 =	vadd.f32 v4, v5;
	_ =	sdelay $0x1  }
0x99: {  	v4 =	vmul.f32 $1.442695020e+00, v4;
	_ =	sdelay $0x1  }
0x9a: {  	(erf) = vpow2.f32 v4;
	_ =	sdelay $0x3  }
0x9b: {  	s30 =	sadd.s32 $0x1, s30  }
0x9c: {  	p2 =	sne.s32 s30, $0x5  }
.Ltmp3:
0x9d: {  	_ = 	snop;
	(pc) =	sbr.rel @p2 .LBB2_3-.Ltmp3, $3  }
0x9e: {  	_ =	sdelay $0x1  }
0x9f: {  	v4 =	vpop (erf)  }
0xa0: {  	[tilespmem:v3+s31+$0x0 ss:$0x1] =	vst.idx.msk $0xffff, v4  }
.Ltmp4:
0xa1: {  	(pc) =	sbr.rel @p1 .LBB2_12-.Ltmp4, $3  }
0xa2: {  	_ =	sdelay $0x1  }
0xa3: {  	s0 =	sadd.s32 $0x2710, s29  }
0xa4: {  	[spmem:s1] =	stream.indirect.scatter.add.f32 [tilespmem:s28], [sflag:$0x5], $0x1, s0, s13, $0xb8;
	[tilespmem:$0x11A30] =	vst v63  }
0xa5: {  	_ =	swait.ge [sflag:s18], $0x2800  }
0xa6: {  	[sflag:s18] =	ssyncset.done $0x0  }
0xa7: {  	[sflag:s18] =	ssyncadd.s32 $0xFFFFD800  }
0xa8: {  	s0 =	smul.u32 $0xA0, s25;
	_ =	swait.ge [sflag:s19], $0x2800  }
0xa9: {  	[sflag:s19] =	ssyncset.done $0x0  }
0xaa: {  	s28 =	sadd.s32 $0xA0, s0;
	[sflag:s19] =	ssyncadd.s32 $0xFFFFD800  }
0xab: {  	[tilespmem:s14], [sflag:$0x1] =	stream.indirect.gather [hbm4b:s3+s13], $0x80, s28, s13, $0xb8;
	[tilespmem:$0x11A30] =	vst v63  }
0xac: {  	s0 =	sadd.s32 $0x27B0, s0;
	s28 =	smul.u32 $0x140, s26  }
0xad: {  	[tilespmem:s15], [sflag:$0x2] =	stream.indirect.gather [hbm4b:s3+s13], $0x80, s0, s13, $0xb8;
	[tilespmem:$0x11A30] =	vst v63  }
0xae: {  	s31 =	sshra.s32 s28, $0x2  }
0xaf: {  	s0 =	sadd.s32 $0xEE20, s31  }
0xb0: {  	s28 =	simm.s32 $0x0;
	v3 =	vmov s0  }
.LBB2_8:
0xb1: {  	s0 =	simm.s32 $0x0  }
0xb2: {  	v4 =	vmov s0  }
0xb3: {  	s29 =	sshll.u32 s28, $0x4;
	v4 =	vshrl.u32 v4, $0x3  }
0xb4: {  	v5 =	vmov s29;
	v6 =	vshll.u32 v4, v2  }
0xb5: {  	v4 =	vshll.u32 v5, $0x7;
	v5 =	vbroadcast v6, $0x0  }
0xb6: {  	v4 =	vor.u32 v1, v4;
	v7 =	vor.u32 $0x1, v6  }
0xb7: {  	v7 =	vbroadcast v7, $0x0;
	v5 =	vor.u32 v4, v5  }
0xb8: {  	v8 =	vor.u32 $0x2, v6  }
0xb9: {  	v8 =	vbroadcast v8, $0x0;
	v7 =	vor.u32 v4, v7  }
0xba: {  	v9 =	vor.u32 $0x3, v6  }
0xbb: {  	v10 =	vor.u32 $0x4, v6;
	v9 =	vbroadcast v9, $0x0;
	v8 =	vor.u32 v4, v8  }
0xbc: {  	v10 =	vbroadcast v10, $0x0;
	v11 =	vld.idx.msk [tilespmem:v5+s20+$0x0], $0xffff  }
0xbd: {  	v9 =	vor.u32 v4, v9;
	v12 =	vld.idx.msk [tilespmem:v5+s21+$0x0], $0xffff  }
0xbe: {  	v10 =	vor.u32 v4, v10;
	v5 =	vor.u32 $0x5, v6;
	v13 =	vld.idx.msk [tilespmem:v7+s20+$0x0], $0xffff  }
0xbf: {  	v5 =	vbroadcast v5, $0x0;
	v7 =	vld.idx.msk [tilespmem:v7+s21+$0x0], $0xffff  }
0xc0: {  	v15 =	vor.u32 $0x6, v6;
	v16 =	vld.idx.msk [tilespmem:v8+s20+$0x0], $0xffff  }
0xc1: {  	s0 =	simm.s32 $0x8;
	v15 =	vbroadcast v15, $0x0;
	v6 =	vor.u32 $0x7, v6;
	v8 =	vld.idx.msk [tilespmem:v8+s21+$0x0], $0xffff;
	v17 =	vor.u32 v4, v5  }
0xc2: {  	v14 =	vmov s0;
	v6 =	vbroadcast v6, $0x0;
	v18 =	vld.idx.msk [tilespmem:v9+s21+$0x0], $0xffff  }
0xc3: {  	v14 =	vshrl.u32 v14, $0x3;
	v15 =	vor.u32 v4, v15;
	v20 =	vld.idx.msk [tilespmem:v10+s20+$0x0], $0xffff;
	v11 =	vmul.f32 v12, v11  }
0xc4: {  	v5 =	vshll.u32 v14, v2;
	v14 =	vld.idx.msk [tilespmem:v9+s20+$0x0], $0xffff;
	v9 =	vimm.f32 $0.0e+00;
	v22 =	vor.u32 v4, v6  }
0xc5: {  	v21 =	vld.idx.msk [tilespmem:v10+s21+$0x0], $0xffff;
	v12 =	vbroadcast v5, $0x0;
	v7 =	vmul.f32 v7, v13;
	v9 =	vadd.f32 v11, v9  }
0xc6: {  	v13 =	vor.u32 $0x2, v5;
	v8 =	vmul.f32 v8, v16;
	v11 =	vor.u32 $0x1, v5;
	v6 =	vld.idx.msk [tilespmem:v17+s20+$0x0], $0xffff  }
0xc7: {  	v10 =	vor.u32 v4, v12;
	v12 =	vld.idx.msk [tilespmem:v17+s21+$0x0], $0xffff;
	v11 =	vbroadcast v11, $0x0;
	v7 =	vadd.f32 v7, v9  }
0xc8: {  	v16 =	vor.u32 $0x3, v5;
	v17 =	vbroadcast v13, $0x0;
	v9 =	vld.idx.msk [tilespmem:v15+s20+$0x0], $0xffff  }
0xc9: {  	v14 =	vmul.f32 v18, v14;
	v15 =	vld.idx.msk [tilespmem:v15+s21+$0x0], $0xffff;
	v13 =	vor.u32 v4, v11;
	v8 =	vadd.f32 v8, v7  }
0xca: {  	v20 =	vmul.f32 v21, v20;
	v16 =	vbroadcast v16, $0x0;
	v7 =	vld.idx.msk [tilespmem:v22+s20+$0x0], $0xffff  }
0xcb: {  	v18 =	vor.u32 $0x4, v5;
	v11 =	vor.u32 v4, v17;
	v19 =	vadd.f32 v14, v8;
	v14 =	vld.idx.msk [tilespmem:v22+s21+$0x0], $0xffff  }
0xcc: {  	v17 =	vbroadcast v18, $0x0;
	v18 =	vor.u32 $0x5, v5;
	v8 =	vld.idx.msk [tilespmem:v10+s20+$0x0], $0xffff  }
.LBB2_9:
0xcd: {  	s0 =	sadd.s32 $0x8, s0;
	v10 =	vld.idx.msk [tilespmem:v10+s21+$0x0], $0xffff;
	v16 =	vor.u32 v4, v16;
	v19 =	vadd.f32 v20, v19;
	v6 =	vmul.f32 v12, v6  }
0xce: {  	v18 =	vbroadcast v18, $0x0;
	v21 =	vor.u32 $0x6, v5;
	v12 =	vmov s0;
	v20 =	vld.idx.msk [tilespmem:v13+s20+$0x0], $0xffff  }
0xcf: {  	v17 =	vor.u32 v4, v17;
	v9 =	vmul.f32 v15, v9;
	v13 =	vld.idx.msk [tilespmem:v13+s21+$0x0], $0xffff;
	v6 =	vadd.f32 v6, v19  }
0xd0: {  	v12 =	vshrl.u32 v12, $0x3;
	v19 =	vbroadcast v21, $0x0;
	v21 =	vor.u32 $0x7, v5;
	v15 =	vld.idx.msk [tilespmem:v11+s20+$0x0], $0xffff  }
0xd1: {  	v18 =	vor.u32 v4, v18;
	v7 =	vmul.f32 v14, v7;
	v11 =	vld.idx.msk [tilespmem:v11+s21+$0x0], $0xffff;
	v6 =	vadd.f32 v9, v6  }
0xd2: {  	p1 =	slt.u32 s0, $0x78;
	v5 =	vshll.u32 v12, v2;
	v9 =	vbroadcast v21, $0x0;
	v14 =	vld.idx.msk [tilespmem:v16+s20+$0x0], $0xffff  }
0xd3: {  	v19 =	vor.u32 v4, v19;
	v8 =	vmul.f32 v10, v8;
	v16 =	vld.idx.msk [tilespmem:v16+s21+$0x0], $0xffff;
	v6 =	vadd.f32 v7, v6  }
0xd4: {  	v10 =	vor.u32 $0x1, v5;
	v7 =	vbroadcast v5, $0x0;
	v21 =	vld.idx.msk [tilespmem:v17+s20+$0x0], $0xffff  }
0xd5: {  	v22 =	vor.u32 v4, v9;
	v12 =	vmul.f32 v13, v20;
	v8 =	vadd.f32 v8, v6;
	v17 =	vld.idx.msk [tilespmem:v17+s21+$0x0], $0xffff  }
0xd6: {  	v9 =	vor.u32 $0x2, v5;
	v13 =	vbroadcast v10, $0x0;
	v6 =	vld.idx.msk [tilespmem:v18+s20+$0x0], $0xffff  }
0xd7: {  	v10 =	vor.u32 v4, v7;
	v7 =	vadd.f32 v12, v8;
	v8 =	vmul.f32 v11, v15;
	v12 =	vld.idx.msk [tilespmem:v18+s21+$0x0], $0xffff  }
.Ltmp5:
0xd8: {  	v11 =	vbroadcast v9, $0x0;
	v18 =	vor.u32 $0x3, v5;
	v9 =	vld.idx.msk [tilespmem:v19+s20+$0x0], $0xffff;
	(pc) =	sbr.rel @p1 .LBB2_9-.Ltmp5, $4  }
0xd9: {  	v13 =	vor.u32 v4, v13;
	v14 =	vmul.f32 v16, v14;
	v8 =	vadd.f32 v8, v7;
	v15 =	vld.idx.msk [tilespmem:v19+s21+$0x0], $0xffff  }
0xda: {  	v16 =	vbroadcast v18, $0x0;
	v18 =	vor.u32 $0x4, v5;
	v7 =	vld.idx.msk [tilespmem:v22+s20+$0x0], $0xffff  }
0xdb: {  	v11 =	vor.u32 v4, v11;
	v20 =	vmul.f32 v17, v21;
	v19 =	vadd.f32 v14, v8;
	v14 =	vld.idx.msk [tilespmem:v22+s21+$0x0], $0xffff  }
0xdc: {  	v17 =	vbroadcast v18, $0x0;
	v18 =	vor.u32 $0x5, v5;
	v8 =	vld.idx.msk [tilespmem:v10+s20+$0x0], $0xffff  }
0xdd: {  	_ =	sdelay $0x2  }
0xde: {  	v19 =	vadd.f32 v20, v19;
	v6 =	vmul.f32 v12, v6  }
0xdf: {  	v10 =	vld.idx.msk [tilespmem:v10+s21+$0x0], $0xffff;
	v43 =	vor.u32 v4, v16  }
0xe0: {  	v44 =	vld.idx.msk [tilespmem:v13+s20+$0x0], $0xffff;
	v9 =	vmul.f32 v15, v9;
	v6 =	vadd.f32 v6, v19  }
0xe1: {  	v45 =	vbroadcast v18, $0x0;
	v46 =	vld.idx.msk [tilespmem:v13+s21+$0x0], $0xffff;
	v17 =	vor.u32 v4, v17  }
0xe2: {  	v47 =	vor.u32 $0x6, v5;
	v48 =	vld.idx.msk [tilespmem:v11+s20+$0x0], $0xffff;
	v7 =	vmul.f32 v14, v7;
	v6 =	vadd.f32 v9, v6  }
0xe3: {  	v50 =	vld.idx.msk [tilespmem:v11+s21+$0x0], $0xffff;
	v49 =	vbroadcast v47, $0x0;
	v51 =	vor.u32 v4, v45  }
0xe4: {  	v5 =	vor.u32 $0x7, v5;
	v52 =	vld.idx.msk [tilespmem:v43+s20+$0x0], $0xffff;
	v8 =	vmul.f32 v10, v8;
	v6 =	vadd.f32 v7, v6  }
0xe5: {  	v5 =	vbroadcast v5, $0x0;
	v9 =	vor.u32 v4, v49;
	v53 =	vld.idx.msk [tilespmem:v43+s21+$0x0], $0xffff  }
0xe6: {  	v55 =	vmul.f32 v46, v44;
	v54 =	vld.idx.msk [tilespmem:v17+s20+$0x0], $0xffff;
	v6 =	vadd.f32 v8, v6  }
0xe7: {  	v4 =	vor.u32 v4, v5;
	v56 =	vld.idx.msk [tilespmem:v17+s21+$0x0], $0xffff  }
0xe8: {  	v57 =	vmul.f32 v50, v48;
	v5 =	vld.idx.msk [tilespmem:v51+s20+$0x0], $0xffff;
	v6 =	vadd.f32 v55, v6  }
0xe9: {  	v58 =	vld.idx.msk [tilespmem:v51+s21+$0x0], $0xffff  }
0xea: {  	v59 =	vld.idx.msk [tilespmem:v9+s20+$0x0], $0xffff;
	v7 =	vmul.f32 v53, v52;
	v6 =	vadd.f32 v57, v6  }
0xeb: {  	v60 =	vld.idx.msk [tilespmem:v9+s21+$0x0], $0xffff  }
0xec: {  	v61 =	vld.idx.msk [tilespmem:v4+s20+$0x0], $0xffff;
	v62 =	vmul.f32 v56, v54;
	v6 =	vadd.f32 v7, v6  }
0xed: {  	v4 =	vld.idx.msk [tilespmem:v4+s21+$0x0], $0xffff  }
0xee: {  	v5 =	vmul.f32 v58, v5;
	v6 =	vadd.f32 v62, v6;
	_ =	sdelay $0x1  }
0xef: {  	v63 =	vmul.f32 v60, v59;
	v5 =	vadd.f32 v5, v6;
	_ =	sdelay $0x1  }
0xf0: {  	v4 =	vmul.f32 v4, v61;
	v5 =	vadd.f32 v63, v5;
	_ =	sdelay $0x1  }
0xf1: {  	v4 =	vadd.f32 v4, v5;
	_ =	sdelay $0x1  }
0xf2: {  	v4 =	vmul.f32 $1.442695020e+00, v4;
	_ =	sdelay $0x1  }
0xf3: {  	(erf) = vpow2.f32 v4;
	_ =	sdelay $0x3  }
0xf4: {  	s28 =	sadd.s32 $0x1, s28  }
0xf5: {  	p1 =	sne.s32 s28, $0x5  }
.Ltmp6:
0xf6: {  	_ = 	snop;
	(pc) =	sbr.rel @p1 .LBB2_8-.Ltmp6, $3  }
0xf7: {  	_ =	sdelay $0x1  }
0xf8: {  	v4 =	vpop (erf)  }
0xf9: {  	[tilespmem:v3+s29+$0x0 ss:$0x1] =	vst.idx.msk $0xffff, v4  }
.Ltmp7:
0xfa: {  	(pc) =	sbr.rel .LBB2_12-.Ltmp7, $3  }
0xfb: {  	s0 =	smul.u32 $0x50, s26;
	_ =	sdelay $0x1  }
0xfc: {  	s26 =	sadd.s32 $0xEE20, s0;
	s0 =	sadd.s32 $0x2710, s0  }
0xfd: {  	[spmem:s1] =	stream.indirect.scatter.add.f32 [tilespmem:s26], [sflag:$0x5], $0x1, s0, s13, $0xb8;
	[tilespmem:$0x11A30] =	vst v63  }
.LBB2_13:
0xfe: {  	[hbm4b:s7+s2] =	stream.linear.scatter [tilespmem:s22], [sflag:$0x6], $0x2710, $0x38;
	[tilespmem:$0x11A30] =	vst v63  }
0xff: {  	_ =	swait.ge [sflag:s11], $0x2710  }
0x100: {  	[sflag:s11] =	ssyncset.done $0x0  }
0x101: {  	[sflag:s11] =	ssyncadd.s32 $0xFFFFD8F0  }
0x102: {  	_ =	swait.ge [sflag:s23], $0x50  }
0x103: {  	s0 =	simm.s32 $0x7C;
	[sflag:s23] =	ssyncset.done $0x0  }
.LBB2_14:
0x104: {  	p1 =	sne.s32 s0, $0x1;
	s0 =	sadd.s32 $0xFFFFFFFF, s0;
	[sflag:s23] =	ssyncadd.s32 $0xFFFFFFB0  }
.Ltmp8:
0x105: {  	(pc) =	sbr.rel @p1 .LBB2_14-.Ltmp8, $3  }
0x106: {  	_ =	sdelay $0x1  }
0x107: {  	_ =	swait.ge [sflag:s23], $0x50  }
0x108: {  	[sflag:s23] =	ssyncset.done $0x0  }
0x109: {  	[sflag:s23] =	ssyncadd.s32 $0xFFFFFFB0;
	s0 =	sshrl.u32 @!p0 s1, $0x3;
	s24 =	sadd.s32 $0x1, s24  }
0x10a: {  	s25 =	simm.s32 @!p0 $0x1C06;
	[bflag:$0x0] =	sbarrier.arrive $0xFFFF;
	p1 =	sne.s32 s24, s9  }
0x10b: {  	[hbm:s8], [sflag:s25] =	dma.local @!p0 [spmem:s0], $0x4E2  }
.Ltmp9:
0x10c: {  	_ = 	snop;
	(pc) =	sbr.rel @p1 .LBB2_1-.Ltmp9, $4  }
0x10d: {  	s0 =	simm.s32 @!p0 $0x6  }
0x10e: {  	_ =	swait.ge @!p0 [sflag:s0], $0x4E2  }
0x10f: {  	[sflag:s0] =	ssyncset.done @!p0 $0x0  }
0x110: {  	[sflag:s0] =	ssyncadd.s32 @!p0 $0xFFFFFB1E  }
0x111: {  	_ =	sfence.sel $0x180000  }
0x112: {  	[bflag:$0x0] =	sbarrier.arrive $0xFFFF  }
0x113: {  	_ =	strace $0x90000047  }
0x114: {  	[bflag:$0x2] =	sbarrier.arrive $0xFFFF  }
0x115: {  	s0 =	rddreg [dreg:$0x2]  }
0x116: {  	s0 =	sadd.s32 @!p0 $0x100000, s0  }
0x117: {  	[sflag:s0] =	ssyncadd.tile.s32 @!p0 $0x1;
	_ =	shalt  }
.Lfunc_end2:
_tile_overlayer_lowered:
.L_overlay_start_2:
0x118: {  	(tag) =	ssettag $0x2  }
0x119: {  	s0 =	rddreg [dreg:$0x0];
	s2 =	stileid.u32  }
0x11a: {  	s1 =	rddreg [dreg:$0x1];
	p0 =	sne.s32 s2, $0x0  }
0x11b: {  	s3 =	rddreg [dreg:$0x2];
	[bflag:$0x3] =	sbarrier.arrive $0xFFFF;
	s2 =	simm.s32 @!p0 $0x1C06  }
0x11c: {  	[timem:s3], [sflag:s2] =	dma.local @!p0 [hbm:s0], s1  }
0x11d: {  	s0 =	simm.s32 @!p0 $0x6  }
0x11e: {  	_ =	swait.ge @!p0 [sflag:s0], s1  }
0x11f: {  	s1 =	ssub.s32 @!p0 $0x0, s1;
	[sflag:s0] =	ssyncset.done @!p0 $0x0  }
0x120: {  	[sflag:s0] =	ssyncadd.s32 @!p0 s1  }
0x121: {  	[bflag:$0x3] =	sbarrier.arrive $0xFFFF  }
0x122: {  	_ =	shalt  }

// kernel: kernel.9.cloned.1.call-start
scs
__scs_entry_jumppad:
0x0: {  	(pc) =	sbr.rel $0x88, $3  }
0x1: {  	(tag) =	ssettag $0x0;
	lr =	simm.s32 $0x1  }
0x2: {  	[smem:$0x3F9C] =	sst lr;
	_ =	strace $0xD0000000  }
0x3: {  	_ = 	snop  }
0x4: {  	_ = 	snop  }
0x5: {  	_ = 	snop  }
0x6: {  	_ = 	snop  }
0x7: {  	_ = 	snop  }
__scs_overlays_trampoline_lowered:
0x8: {  	[smem:$0x3FAB] =	sst s0  }
0x9: {  	[smem:$0x3FAC] =	sst s1  }
0xa: {  	[smem:$0x3FAD] =	sst s2  }
0xb: {  	[smem:$0x3FAE] =	sst s3  }
0xc: {  	[smem:$0x3FAF] =	sst s4  }
0xd: {  	[smem:$0x3FB0] =	sst s5  }
0xe: {  	[smem:$0x3FB1] =	sst s6  }
0xf: {  	[smem:$0x3FB2] =	sst s7  }
0x10: {  	[smem:$0x3FB3] =	sst s8  }
0x11: {  	[smem:$0x3FB4] =	sst s9;
	s0 =	simm.s32 @!p0 $0x0  }
0x12: {  	s1 =	sld [smem:$0x3F9A];
	s0 =	simm.s32 @p0 $0x1  }
0x13: {  	[smem:$0x3FB5] =	sst s0;
	s0 =	simm.s32 @!p1 $0x0  }
0x14: {  	s2 =	sld [smem:$0x3F99];
	s0 =	simm.s32 @p1 $0x1  }
0x15: {  	[smem:$0x3FB6] =	sst s0;
	s0 =	simm.s32 @!p2 $0x0  }
0x16: {  	s3 =	sld [smem:$0x3FDB];
	s0 =	simm.s32 @p2 $0x1  }
0x17: {  	s4 =	simm.s32 $0x1BF5;
	[smem:$0x3FB8] =	sst s0  }
0x18: {  	s0 =	sld [smem:$0x3F9B];
	_ =	swait.ge [sflag:s4], $0x0  }
0x19: {  	s7 =	sld [smem:$0x3F9C]  }
0x1a: {  	s8 =	sadd.s32 $0xFFFFE003, lr  }
0x1b: {  	s9 =	sadd.s32 $0xFFFFFEF7, lr;
	s5 =	simm.s32 $0xFFFFFFFF;
	p2 =	slt.u32 s8, $0xFFFFF086  }
0x1c: {  	p1 =	slt.u32 s9, $0xF7A;
	s5 =	simm.s32 @!p2 $0x0  }
0x1d: {  	s5 =	simm.s32 @p1 $0x1;
	p0 =	seq.s32 s7, s2  }
0x1e: {  	s7 =	smul.u32 @!p0 $0xF7A, s2;
	p2 =	seq.s32 @!p0 s5, $0x0  }
0x1f: {  	s9 =	smul.u32 $0xF7A, s1;
	s8 =	simm.s32 @!p0 $0x1BF5;
	p2 =	por !p2, p0  }
0x20: {  	[sflag:s8] =	ssyncset.s32 @!p0 $0xFFFFF086;
	s6 =	sadd.s32 @!p0 s3, s7;
	s7 =	simm.s32 @!p0 $0x108  }
0x21: {  	s3 =	sadd.s32 s3, s9;
	s6 =	sadd.s32 @!p0 $0x88, s6;
	s7 =	simm.s32 @p2 $0x1082  }
0x22: {  	[simem:s7], [sflag:s8] =	dma.local @!p0 [hbm:s6], $0xF7A  }
0x23: {  	s9 =	sor.u32 $0xD0000000, s2;
	s6 =	simm.s32 $0x108;
	_ =	swait.ge @!p0 [sflag:s8], $0x0  }
0x24: {  	s3 =	sadd.s32 $0x88, s3;
	s6 =	simm.s32 @!p1 $0x1082;
	[sflag:s4] =	ssyncset.s32 $0xFFFFF086  }
0x25: {  	[simem:s6], [sflag:s4] =	dma.local [hbm:s3], $0xF7A  }
0x26: {  	[smem:$0x3F9C] =	sst s1;
	(tag) =	ssettag s2;
	_ =	strace s9  }
0x27: {  	s1 =	sld [smem:$0x3FAC]  }
0x28: {  	s2 =	sld [smem:$0x3FAD]  }
0x29: {  	s4 =	sld [smem:$0x3FAF]  }
0x2a: {  	p0 =	seq.s32 s5, $0x0;
	s5 =	sld [smem:$0x3FB0]  }
0x2b: {  	s6 =	sld [smem:$0x3FB1]  }
0x2c: {  	s7 =	sld [smem:$0x3FB2]  }
0x2d: {  	s3 =	simm.s32 $0x108;
	s8 =	sld [smem:$0x3FB3]  }
0x2e: {  	s3 =	simm.s32 @!p0 $0x1082;
	s9 =	sld [smem:$0x3FB4]  }
0x2f: {  	lr =	sadd.s32 s0, s3;
	s0 =	sld [smem:$0x3FAB]  }
0x30: {  	s3 =	sld [smem:$0x3FAE]  }
0x31: {  	[smem:$0x3FB7] =	sst s10  }
0x32: {  	s10 =	sld [smem:$0x3FB5];
	_ =	sdelay $0x3  }
0x33: {  	p0 =	seq.s32 s10, $0x1;
	s10 =	sld [smem:$0x3FB7];
	_ =	sdelay $0x3  }
0x34: {  	[smem:$0x3FB7] =	sst s10  }
0x35: {  	s10 =	sld [smem:$0x3FB6];
	_ =	sdelay $0x3  }
0x36: {  	p1 =	seq.s32 s10, $0x1;
	s10 =	sld [smem:$0x3FB7];
	_ =	sdelay $0x3  }
0x37: {  	[smem:$0x3FB7] =	sst s10  }
0x38: {  	s10 =	sld [smem:$0x3FB8]  }
0x39: {  	_ = 	snop;
	(pc) =	sbr.ind lr, $3  }
0x3a: {  	_ = 	snop  }
0x3b: {  	_ = 	snop  }
0x3c: {  	p2 =	seq.s32 s10, $0x1;
	s10 =	sld [smem:$0x3FB7]  }
0x3d: {  	_ =	shalt  }
0x3e: {  	_ =	shalt  }
0x3f: {  	_ =	shalt  }
0x40: {  	_ =	shalt  }
0x41: {  	_ =	shalt  }
0x42: {  	_ =	shalt  }
0x43: {  	_ =	shalt  }
0x44: {  	_ =	shalt  }
0x45: {  	_ =	shalt  }
0x46: {  	_ =	shalt  }
0x47: {  	_ =	shalt  }
0x48: {  	_ =	shalt  }
0x49: {  	_ =	shalt  }
0x4a: {  	_ =	shalt  }
0x4b: {  	_ =	shalt  }
0x4c: {  	_ =	shalt  }
0x4d: {  	_ =	shalt  }
0x4e: {  	_ =	shalt  }
0x4f: {  	_ =	shalt  }
0x50: {  	_ =	shalt  }
0x51: {  	_ =	shalt  }
0x52: {  	_ =	shalt  }
0x53: {  	_ =	shalt  }
0x54: {  	_ =	shalt  }
0x55: {  	_ =	shalt  }
0x56: {  	_ =	shalt  }
0x57: {  	_ =	shalt  }
0x58: {  	_ =	shalt  }
0x59: {  	_ =	shalt  }
0x5a: {  	_ =	shalt  }
0x5b: {  	_ =	shalt  }
0x5c: {  	_ =	shalt  }
0x5d: {  	_ =	shalt  }
0x5e: {  	_ =	shalt  }
0x5f: {  	_ =	shalt  }
0x60: {  	_ =	shalt  }
0x61: {  	_ =	shalt  }
0x62: {  	_ =	shalt  }
0x63: {  	_ =	shalt  }
0x64: {  	_ =	shalt  }
0x65: {  	_ =	shalt  }
0x66: {  	_ =	shalt  }
0x67: {  	_ =	shalt  }
0x68: {  	_ =	shalt  }
0x69: {  	_ =	shalt  }
0x6a: {  	_ =	shalt  }
0x6b: {  	_ =	shalt  }
0x6c: {  	_ =	shalt  }
0x6d: {  	_ =	shalt  }
0x6e: {  	_ =	shalt  }
0x6f: {  	_ =	shalt  }
0x70: {  	_ =	shalt  }
0x71: {  	_ =	shalt  }
0x72: {  	_ =	shalt  }
0x73: {  	_ =	shalt  }
0x74: {  	_ =	shalt  }
0x75: {  	_ =	shalt  }
0x76: {  	_ =	shalt  }
0x77: {  	_ =	shalt  }
0x78: {  	_ =	shalt  }
0x79: {  	_ =	shalt  }
0x7a: {  	_ =	shalt  }
0x7b: {  	_ =	shalt  }
0x7c: {  	_ =	shalt  }
0x7d: {  	_ =	shalt  }
0x7e: {  	_ =	shalt  }
0x7f: {  	_ =	shalt  }
0x80: {  	_ =	shalt  }
0x81: {  	_ =	shalt  }
0x82: {  	_ =	shalt  }
0x83: {  	_ =	shalt  }
0x84: {  	_ =	shalt  }
0x85: {  	_ =	shalt  }
0x86: {  	_ =	shalt  }
0x87: {  	_ =	shalt  }
.Lfunc_end0:
.L_simem_size_0:
called_computation.1_lowered:
.L_overlay_start_0:
0x88: {  	s2 =	sld [smem:$0x3FD9]  }
0x89: {  	s3 =	sld [smem:$0x3FFE];
	_ =	sdelay $0x1  }
0x8a: {  	s1 =	srdreg.scid  }
0x8b: {  	s0 =	sand.u32 $0x1, s1  }
0x8c: {  	s14 =	sshll.u32 s0, $0xA;
	s2 =	sadd.s32 s3, s2  }
0x8d: {  	s2 =	sadd.s32 s2, s14  }
0x8e: {  	[smem:$0x3FC3] =	sst s2  }
0x8f: {  	_ = 	snop  }
0x90: {  	s2 =	sld [smem:$0x3FD0];
	_ =	sdelay $0x2  }
0x91: {  	s15 =	simm.s32 $0xA;
	s4 =	simm.s32 $0x10  }
0x92: {  	[smem:s4], [sflag:s15] =	dma.local [hbm:s2], $0x1  }
0x93: {  	_ =	swait.eq [sflag:s15], $0x1  }
0x94: {  	[sflag:s15] =	ssyncset.done $0x0  }
0x95: {  	s16 =	sld [smem:$0x10];
	[sflag:s15] =	ssyncadd.s32 $0xFFFFFFFF  }
0x96: {  	s17 =	sld [smem:$0x11];
	(tm) =	ssettm $0x1  }
0x97: {  	s18 =	sld [smem:$0x3FFB];
	_ =	sdelay $0x3  }
0x98: {  	_ =	strace s18  }
0x99: {  	s4 =	sld [smem:$0x3FFC];
	_ =	sdelay $0x3  }
0x9a: {  	_ =	strace s4  }
0x9b: {  	s4 =	sld [smem:$0x3FFD];
	_ =	sdelay $0x3  }
0x9c: {  	_ =	strace s4  }
0x9d: {  	_ =	strace $0x8FFFFFFF  }
0x9e: {  	s19 =	sld [smem:$0x3FDB];
	_ =	sdelay $0x1  }
0x9f: {  	s5 =	simm.s32 $_scs_section_size  }
0xa0: {  	s6 =	simm.s32 $_size__tile_overlayer_lowered;
	s7 =	simm.s32 $_tile_overlayer_lowered  }
0xa1: {  	s22 =	simm.s32 $0x1BFF;
	s21 =	sshll.u32 s7, $0x1;
	s4 =	sadd.s32 s5, s19  }
0xa2: {  	s8 =	simm.s32 $0x0;
	s20 =	sshll.u32 s6, $0x1;
	s6 =	sadd.s32 s21, s4  }
0xa3: {  	[timem:s8], [sflag:s22] =	dma.local [hbm:s6], s20  }
0xa4: {  	_ =	swait.ge [sflag:s22], s20  }
0xa5: {  	s5 =	ssub.s32 $0x0, s20;
	[sflag:s22] =	ssyncset.done $0x0  }
0xa6: {  	[sflag:s22] =	ssyncadd.s32 s5;
	_ =	sdelay $0x1  }
0xa7: {  	s23 =	simm.s32 $0x1B8B  }
0xa8: {  	_ =	swait.ge [sflag:s23], $0x1  }
0xa9: {  	[sflag:s23] =	ssyncset.done $0x0  }
0xaa: {  	s25 =	simm.s32 $0x1B8E;
	s24 =	sld [smem:$0x3FFE];
	[sflag:s23] =	ssyncadd.s32 $0xFFFFFFFF  }
0xab: {  	s26 =	simm.s32 $execute0_lowered;
	[smem:$0x3FD2] =	sst s25  }
0xac: {  	s6 =	sshll.u32 s26, $0x1;
	_ =	strace $0x80000049;
	[dreg:$0x1] =	wrdreg $0xFFFFFFFF  }
0xad: {  	s28 =	simm.s32 $_size_execute0_lowered;
	s4 =	sadd.s32 s4, s6;
	[dreg:$0x0] =	wrdreg $0x0  }
0xae: {  	s6 =	sshll.u32 s28, $0x1;
	[dreg:$0x2] =	wrdreg s4  }
0xaf: {  	[dreg:$0x3] =	wrdreg s6  }
0xb0: {  	[dreg:$0x4] =	wrdreg $0xC0  }
0xb1: {  	_ =	task [dreg:s8], $0x5FFFF  }
0xb2: {  	[dreg:$0x1] =	wrdreg $0xFFFFFFFF  }
0xb3: {  	[dreg:$0x0] =	wrdreg $0x60  }
0xb4: {  	[dreg:$0x2] =	wrdreg s24  }
0xb5: {  	[dreg:$0x3] =	wrdreg s16  }
0xb6: {  	[dreg:$0x4] =	wrdreg s17  }
0xb7: {  	[dreg:$0x5] =	wrdreg $0x131A00  }
0xb8: {  	[dreg:$0x6] =	wrdreg $0x9  }
0xb9: {  	_ =	task.clear_ibuf [dreg:s8], $0x7FFFF;
	_ =	strace $0x90000049  }
0xba: {  	s29 =	simm.s32 $0x9;
	_ =	strace $0x8000004B  }
0xbb: {  	_ =	swait.ge [sflag:s29], $0x1  }
0xbc: {  	[sflag:s29] =	ssyncadd.s32 $0xFFFFFFFF  }
0xbd: {  	_ =	strace $0x9000004B  }
0xbe: {  	_ =	sfence  }
0xbf: {  	s30 =	sld [smem:$0x0];
	_ =	sdelay $0x2  }
0xc0: {  	s31 =	sshll.u32 s1, $0xD;
	s1 =	sshrl.u32 s1, $0x2  }
0xc1: {  	s3 =	sand.u32 $0x4000, s31;
	s1 =	sadd.s32 s1, s30  }
0xc2: {  	s0 =	sor.u32 s3, s0;
	s1 =	sshll.u32 s1, $0x11  }
0xc3: {  	s0 =	sor.u32 s1, s0  }
0xc4: {  	s0 =	sadd.s32 $0x8F2B, s0  }
0xc5: {  	[sflag:s0] =	ssyncadd.remote.s32 $0x1  }
0xc6: {  	_ =	sfence.sel $0xFFFF  }
0xc7: {  	[dreg:$0x0] =	wrdreg $0xFFFFFFFF;
	(pc) =	sbr.abs _section_cstart, $3  }
0xc8: {  	[dreg:$0x1] =	wrdreg $0xFFFFFFFF  }
0xc9: {  	_ =	task.clear_ibuf [dreg:s8], $0x2FFFF;
	_ =	strace $0x9FFFFFFF  }
0xca: {  	(tm) =	ssettm $0x7FFFFFFF  }
0xcb: {  	_ =	shalt  }
tec
execute0_lowered:
.L_overlay_start_1:
0x0: {  	(tag) =	ssettag $0x1  }
0x1: {  	s0 =	rddreg [dreg:$0x0]  }
0x2: {  	s2 =	srdreg.scid;
	s1 =	rddreg [dreg:$0x1]  }
0x3: {  	s9 =	stileid.u32;
	s5 =	rddreg [dreg:$0x2]  }
0x4: {  	s18 =	simm.s32 $0xC440;
	s19 =	simm.s32 $0x5;
	s21 =	simm.s32 $0x11260  }
0x5: {  	s24 =	simm.s32 $0x50;
	s28 =	simm.s32 $0x4;
	s29 =	simm.s32 $0xB040  }
0x6: {  	s30 =	simm.s32 $0x2;
	s31 =	simm.s32 $0x3;
	s20 =	simm.s32 $0x0  }
0x7: {  	s2 =	sand.u32 $0x1, s2;
	s3 =	sshll.u32 s9, $0x1;
	s7 =	smul.u32 $0x9C40, s9  }
0x8: {  	s9 =	smul.u32 $0x27100, s9;
	s10 =	sadd.s32 $0x45A00, s0;
	s4 =	sor.u32 s2, s3  }
0x9: {  	s3 =	rddreg [dreg:$0x3];
	s8 =	smul.u32 $0x9C400, s2;
	s2 =	ssub.s32 $0x2, s2  }
0xa: {  	s6 =	smul.u32 $0x4E2, s4;
	s4 =	simm.s32 $0x0;
	s25 =	sshrl.u32 s2, $0x1  }
0xb: {  	s9 =	sshrl.u32 s9, $0x2;
	[smem:$0x7FF] =	sst s4;
	s8 =	sadd.s32 s7, s8  }
0xc: {  	s2 =	ssub.s32 s2, s25;
	s11 =	sadd.s32 s9, s3;
	s7 =	sadd.s32 s7, s3  }
0xd: {  	s25 =	simm.s32 $0x9C40;
	_ =	strace $0x8000004A;
	s14 =	sadd.s32 s6, s0  }
0xe: {  	[dreg:$0x5] =	wrdreg s10;
	s8 =	sshrl.u32 s8, $0x3;
	s26 =	sadd.s32 $0x1F40, s11  }
.Ltmp0:
0xf: {  	s9 =	sadd.s32 $0x3E80, s11;
	s10 =	sadd.s32 $0x5DC0, s11;
	(pc) =	sbr.rel .LBB2_1-.Ltmp0, $4  }
0x10: {  	s11 =	sadd.s32 $0x7D00, s11;
	s15 =	sadd.s32 s5, s6;
	s17 =	smax.u32 s2, $0x1  }
0x11: {  	s16 =	sadd.s32 s8, s0;
	s0 =	sadd.s32 $0x45EE2, s0;
	[dreg:$0x7] =	wrdreg s26  }
0x12: {  	v1 =	vlaneseq.u32;
	v2 =	vimm.s32 $0x0;
	vm0 =	vcmask $0x300;
	s12 =	sadd.s32 $0xAC00, s14;
	s13 =	sadd.s32 $0xE00, s14;
	s14 =	sadd.s32 $0x3BC00, s14  }
0x13: {  	v0 =	vimm.f32 $0.0e+00;
	v1 =	vmul.u32 $0x40, v1;
	v2 =	vsel vm0, $0x3, v2;
	s26 =	simm.s32 $0x1;
	[dreg:$0x6] =	wrdreg s0;
	s16 =	sadd.s32 $0x14A00, s16  }
.LBB2_21:
0x14: {  	_ =	swait.ge [sflag:s31], $0x1400  }
0x15: {  	[sflag:s31] =	ssyncset.done $0x0  }
0x16: {  	[sflag:s31] =	ssyncadd.s32 $0xFFFFEC00  }
0x17: {  	_ =	swait.ge [sflag:s28], $0x1400  }
0x18: {  	[sflag:s28] =	ssyncset.done $0x0  }
0x19: {  	s0 =	simm.s32 $0x7530;
	[sflag:s28] =	ssyncadd.s32 $0xFFFFEC00  }
0x1a: {  	[hbm4b:s15+s4] =	stream.linear.scatter [tilespmem:s0], [sflag:$0x5], $0x2710, $0x38;
	[tilespmem:$0x1CDE0] =	vst v63  }
0x1b: {  	s23 =	stileid.u32;
	_ =	swait.ge [sflag:s19], $0x2710  }
0x1c: {  	s2 =	sshrl.u32 s7, $0x3;
	s20 =	sadd.s32 $0x1, s20;
	[sflag:s19] =	ssyncset.done $0x0  }
0x1d: {  	p0 =	sne.s32 s20, s17;
	s0 =	sshll.u32 s23, $0x6;
	[sflag:s19] =	ssyncadd.s32 $0xFFFFD8F0  }
.Ltmp1:
0x1e: {  	s0 =	sor.u32 $0x1C05, s0;
	[bflag:$0x0] =	sbarrier.arrive $0xFFFF;
	(pc) =	sbr.rel @!p0 .LBB2_22-.Ltmp1, $4  }
0x1f: {  	[hbm:s16], [sflag:s0] =	dma.local [spmem:s2], $0x1388  }
0x20: {  	_ =	swait.ge [sflag:s19], $0x1388  }
0x21: {  	[sflag:s19] =	ssyncset.done $0x0  }
0x22: {  	[sflag:s19] =	ssyncadd.s32 $0xFFFFEC78  }
.LBB2_1:
0x23: {  	s0 =	rddreg [dreg:$0x5]  }
0x24: {  	[tilespmem:s18], [sflag:$0x5] =	stream.linear.gather [hbm4b:s0+s4], $0x2710, $0x38;
	[tilespmem:$0x1CDE0] =	vst v63  }
0x25: {  	_ =	swait.ge [sflag:s19], $0x2710  }
0x26: {  	[sflag:s19] =	ssyncset.done $0x0  }
0x27: {  	s2 =	simm.s32 $0xEB50;
	s23 =	rddreg [dreg:$0x6];
	[sflag:s19] =	ssyncadd.s32 $0xFFFFD8F0  }
0x28: {  	[tilespmem:s2], [sflag:$0x5] =	stream.linear.gather [hbm4b:s23+s4], $0x2710, $0x38;
	[tilespmem:$0x1CDE0] =	vst v63  }
0x29: {  	_ =	swait.ge [sflag:s19], $0x2710  }
0x2a: {  	[sflag:s19] =	ssyncset.done $0x0  }
0x2b: {  	s0 =	simm.s32 $0x0;
	[sflag:s19] =	ssyncadd.s32 $0xFFFFD8F0  }
0x2c: {  	s2 =	simm.s32 $0x40;
	v3 =	vld [tilespmem:s0+$0xEB50]  }
.LBB2_2:
0x2d: {  	p0 =	sne.s32 s2, $0x9C00;
	v4 =	vld [tilespmem:s0+$0xC440];
	_ =	sdelay $0x2  }
.Ltmp2:
0x2e: {  	(pc) =	sbr.rel @p0 .LBB2_2-.Ltmp2, $4  }
0x2f: {  	_ = 	snop  }
0x30: {  	v4 =	vadd.f32 v3, v4  }
0x31: {  	s5 =	sshra.s32 s2, $0x2  }
0x32: {  	s2 =	sadd.s32 $0x40, s2;
	v3 =	vld [tilespmem:s5+$0xEB50];
	[tilespmem:s0+$0xC440] =	vst v4;
	s0 =	smov.u32 s5  }
0x33: {  	v4 =	vld [tilespmem:s0+$0xC440];
	_ =	sdelay $0x4  }
0x34: {  	v3 =	vadd.f32 v3, v4;
	_ =	sdelay $0x1  }
0x35: {  	s2 =	simm.s32 $0x100;
	[tilespmem:s0+$0xC440] =	vst v3;
	s0 =	simm.s32 $0x0  }
.LBB2_4:
0x36: {  	p0 =	sne.s32 s2, $0x7C00;
	[tilespmem:s0+$0x11290] =	vst v0;
	s5 =	smov.u32 s2;
	s2 =	sadd.s32 $0x100, s2  }
.Ltmp3:
0x37: {  	[tilespmem:s0+$0x11280] =	vst v0;
	(pc) =	sbr.rel @p0 .LBB2_4-.Ltmp3, $3  }
0x38: {  	[tilespmem:s0+$0x11260] =	vst v0  }
0x39: {  	[tilespmem:s0+$0x11270] =	vst v0;
	_ =	sdelay $0x1  }
0x3a: {  	s0 =	sshra.s32 s5, $0x2  }
0x3b: {  	[tilespmem:s0+$0x11290] =	vst v0  }
0x3c: {  	[tilespmem:s0+$0x11280] =	vst v0  }
0x3d: {  	[tilespmem:s0+$0x11260] =	vst v0  }
0x3e: {  	[tilespmem:s0+$0x11270] =	vst v0  }
0x3f: {  	[spmem:s7] =	stream.linear.scatter [tilespmem:s21], [sflag:$0x5], $0x1F40, $0x38;
	[tilespmem:$0x1CDE0] =	vst v63  }
0x40: {  	_ =	swait.ge [sflag:s19], $0x1F40  }
0x41: {  	[sflag:s19] =	ssyncset.done $0x0  }
0x42: {  	s6 =	rddreg [dreg:$0x7];
	[sflag:s19] =	ssyncadd.s32 $0xFFFFE0C0  }
0x43: {  	[spmem:s6] =	stream.linear.scatter [tilespmem:s21], [sflag:$0x5], $0x1F40, $0x38;
	[tilespmem:$0x1CDE0] =	vst v63  }
0x44: {  	_ =	swait.ge [sflag:s19], $0x1F40  }
0x45: {  	[sflag:s19] =	ssyncset.done $0x0  }
0x46: {  	[sflag:s19] =	ssyncadd.s32 $0xFFFFE0C0  }
0x47: {  	[spmem:s9] =	stream.linear.scatter [tilespmem:s21], [sflag:$0x5], $0x1F40, $0x38;
	[tilespmem:$0x1CDE0] =	vst v63  }
0x48: {  	_ =	swait.ge [sflag:s19], $0x1F40  }
0x49: {  	[sflag:s19] =	ssyncset.done $0x0  }
0x4a: {  	[sflag:s19] =	ssyncadd.s32 $0xFFFFE0C0  }
0x4b: {  	[spmem:s10] =	stream.linear.scatter [tilespmem:s21], [sflag:$0x5], $0x1F40, $0x38;
	[tilespmem:$0x1CDE0] =	vst v63  }
0x4c: {  	_ =	swait.ge [sflag:s19], $0x1F40  }
0x4d: {  	[sflag:s19] =	ssyncset.done $0x0  }
0x4e: {  	[sflag:s19] =	ssyncadd.s32 $0xFFFFE0C0  }
0x4f: {  	[spmem:s11] =	stream.linear.scatter [tilespmem:s21], [sflag:$0x5], $0x1F40, $0x38;
	[tilespmem:$0x1CDE0] =	vst v63  }
0x50: {  	_ =	swait.ge [sflag:s19], $0x1F40  }
0x51: {  	[sflag:s19] =	ssyncset.done $0x0  }
0x52: {  	s22 =	simm.s32 $0x0;
	[sflag:s19] =	ssyncadd.s32 $0xFFFFE0C0  }
0x53: {  	[tilespmem:s22], [sflag:$0x5] =	stream.linear.gather [hbm4b:s12+s22], $0x2710, $0x38;
	[tilespmem:$0x1CDE0] =	vst v63  }
0x54: {  	_ =	swait.ge [sflag:s19], $0x2710  }
0x55: {  	[sflag:s19] =	ssyncset.done $0x0  }
0x56: {  	s8 =	simm.s32 $0x2710;
	[sflag:s19] =	ssyncadd.s32 $0xFFFFD8F0  }
0x57: {  	[tilespmem:s8], [sflag:$0x5] =	stream.linear.gather [hbm4b:s13+s22], $0x2710, $0x38;
	[tilespmem:$0x1CDE0] =	vst v63  }
0x58: {  	_ =	swait.ge [sflag:s19], $0x2710  }
0x59: {  	[sflag:s19] =	ssyncset.done $0x0  }
0x5a: {  	s23 =	simm.s32 $0x4E20;
	[sflag:s19] =	ssyncadd.s32 $0xFFFFD8F0  }
0x5b: {  	[tilespmem:s23], [sflag:$0x5] =	stream.linear.gather [hbm4b:s14+s22], $0x2710, $0x38;
	[tilespmem:$0x1CDE0] =	vst v63  }
.Ltmp4:
0x5c: {  	_ =	swait.ge [sflag:s19], $0x2710;
	(pc) =	sbr.rel .LBB2_6-.Ltmp4, $4  }
0x5d: {  	[sflag:s19] =	ssyncset.done $0x0  }
0x5e: {  	[sflag:s19] =	ssyncadd.s32 $0xFFFFD8F0  }
0x5f: {  	[bflag:$0x0] =	sbarrier.arrive $0xFFFF  }
0x60: {  	[tilespmem:s25], [sflag:$0x1] =	stream.indirect.gather [hbm4b:s1+s24], $0x40, s22, s24, $0xb8;
	[tilespmem:$0x1CDE0] =	vst v63  }
.LBB2_20:
0x61: {  	s22 =	sadd.s32 $0x1, s22  }
0x62: {  	p0 =	sne.s32 s22, $0x3F  }
.Ltmp5:
0x63: {  	_ = 	snop;
	(pc) =	sbr.rel @!p0 .LBB2_21-.Ltmp5, $1  }
0x64: {  	_ =	sdelay $0x3  }
.LBB2_6:
0x65: {  	p0 =	seq.s32 s22, $0x0;
	s23 =	sshllo.u32 s22, $0x1  }
0x66: {  	p1 =	sgt.u32 @!p0 s23, $0x7C  }
0x67: {  	p0 =	por p0, p1  }
.Ltmp6:
0x68: {  	_ = 	snop;
	(pc) =	sbr.rel @p0 .LBB2_8-.Ltmp6, $4  }
0x69: {  	_ = 	snop  }
0x6a: {  	_ =	swait.ge [sflag:s26], $0x1400  }
0x6b: {  	[sflag:s26] =	ssyncset.done $0x0  }
0x6c: {  	[sflag:s26] =	ssyncadd.s32 $0xFFFFEC00  }
0x6d: {  	_ =	swait.ge [sflag:s28], $0x1400  }
0x6e: {  	[sflag:s28] =	ssyncset.done $0x0  }
0x6f: {  	[sflag:s28] =	ssyncadd.s32 $0xFFFFEC00  }
.LBB2_9:
0x70: {  	s0 =	smul.u32 $0x140, s23;
	_ =	sdelay $0x1  }
0x71: {  	s0 =	sshra.s32 s0, $0x2  }
0x72: {  	[tilespmem:s29], [sflag:$0x2] =	stream.indirect.gather [hbm4b:s1+s24], $0x40, s0, s24, $0xb8;
	[tilespmem:$0x1CDE0] =	vst v63  }
.LBB2_10:
0x73: {  	s0 =	smul.u32 $0x280, s22;
	_ =	sdelay $0x1  }
0x74: {  	s6 =	smul.u32 $0xA0, s22;
	s2 =	sshra.s32 s0, $0x2  }
0x75: {  	s0 =	sadd.s32 $0x2710, s2  }
0x76: {  	s5 =	simm.s32 $0x0;
	v4 =	vmov s6;
	v3 =	vmov s0  }
.LBB2_11:
0x77: {  	_ =	sdelay $0x2  }
0x78: {  	s8 =	sshll.u32 s5, $0x4  }
0x79: {  	v5 =	vld.idx.msk [tilespmem:v3+s8+$0x0 ss:$0x1], $0xffff;
	_ =	sdelay $0x7  }
0x7a: {  	v5 =	vld.idx.msk [tilespmem:v5+s18+$0x0], $0xffff;
	_ =	sdelay $0x4  }
0x7b: {  	(erf) = vrcp.f32 v5;
	_ =	sdelay $0x1  }
0x7c: {  	s6 =	simm.s32 $0x0  }
0x7d: {  	v5 =	vmov s6  }
0x7e: {  	v5 =	vshrl.u32 v5, $0x3  }
0x7f: {  	v6 =	vmov s8;
	v7 =	vld.idx.msk [tilespmem:v4+s8+$0x4E20 ss:$0x1], $0xffff;
	v9 =	vshll.u32 v5, v2  }
0x80: {  	v5 =	vshll.u32 v6, $0x6;
	v8 =	vbroadcast v9, $0x0  }
0x81: {  	v6 =	vor.u32 v1, v5  }
0x82: {  	v8 =	vor.u32 v6, v8  }
0x83: {  	v5 =	vpop (erf)  }
0x84: {  	v5 =	vmul.f32 v5, v7;
	_ =	sdelay $0x1  }
0x85: {  	[tilespmem:v4+s8+$0x7530 ss:$0x1] =	vst.idx.msk $0xffff, v5  }
0x86: {  	v7 =	vor.u32 $0x1, v9;
	v10 =	vld.idx.msk [tilespmem:v8+s25+$0x0], $0xffff  }
0x87: {  	v7 =	vbroadcast v7, $0x0;
	_ =	sdelay $0x1  }
0x88: {  	v7 =	vor.u32 v6, v7;
	_ =	sdelay $0x1  }
0x89: {  	v10 =	vmul.f32 v10, v5;
	_ =	sdelay $0x1  }
0x8a: {  	[tilespmem:v8+s25+$0x0] =	vst.idx.msk $0xffff, v10  }
0x8b: {  	v8 =	vor.u32 $0x2, v9;
	v10 =	vld.idx.msk [tilespmem:v7+s25+$0x0], $0xffff  }
0x8c: {  	v8 =	vbroadcast v8, $0x0;
	_ =	sdelay $0x1  }
0x8d: {  	v8 =	vor.u32 v6, v8;
	_ =	sdelay $0x1  }
0x8e: {  	v10 =	vmul.f32 v10, v5;
	_ =	sdelay $0x1  }
0x8f: {  	[tilespmem:v7+s25+$0x0] =	vst.idx.msk $0xffff, v10  }
0x90: {  	v7 =	vor.u32 $0x3, v9;
	v10 =	vld.idx.msk [tilespmem:v8+s25+$0x0], $0xffff  }
0x91: {  	v7 =	vbroadcast v7, $0x0;
	_ =	sdelay $0x1  }
0x92: {  	v7 =	vor.u32 v6, v7;
	_ =	sdelay $0x1  }
0x93: {  	v10 =	vmul.f32 v10, v5;
	_ =	sdelay $0x1  }
0x94: {  	[tilespmem:v8+s25+$0x0] =	vst.idx.msk $0xffff, v10  }
0x95: {  	v8 =	vor.u32 $0x4, v9;
	v10 =	vld.idx.msk [tilespmem:v7+s25+$0x0], $0xffff  }
0x96: {  	v8 =	vbroadcast v8, $0x0;
	_ =	sdelay $0x1  }
0x97: {  	v8 =	vor.u32 v6, v8;
	_ =	sdelay $0x1  }
0x98: {  	v10 =	vmul.f32 v10, v5;
	_ =	sdelay $0x1  }
0x99: {  	[tilespmem:v7+s25+$0x0] =	vst.idx.msk $0xffff, v10  }
0x9a: {  	v7 =	vor.u32 $0x5, v9;
	v10 =	vld.idx.msk [tilespmem:v8+s25+$0x0], $0xffff  }
0x9b: {  	v7 =	vbroadcast v7, $0x0;
	_ =	sdelay $0x1  }
0x9c: {  	v7 =	vor.u32 v6, v7;
	_ =	sdelay $0x1  }
0x9d: {  	v10 =	vmul.f32 v10, v5;
	_ =	sdelay $0x1  }
0x9e: {  	[tilespmem:v8+s25+$0x0] =	vst.idx.msk $0xffff, v10  }
0x9f: {  	v8 =	vor.u32 $0x6, v9;
	v10 =	vld.idx.msk [tilespmem:v7+s25+$0x0], $0xffff  }
0xa0: {  	v8 =	vbroadcast v8, $0x0;
	_ =	sdelay $0x1  }
0xa1: {  	v8 =	vor.u32 v6, v8;
	_ =	sdelay $0x1  }
0xa2: {  	v10 =	vmul.f32 v10, v5;
	_ =	sdelay $0x1  }
0xa3: {  	[tilespmem:v7+s25+$0x0] =	vst.idx.msk $0xffff, v10  }
0xa4: {  	v7 =	vor.u32 $0x7, v9;
	v10 =	vld.idx.msk [tilespmem:v8+s25+$0x0], $0xffff  }
0xa5: {  	v7 =	vbroadcast v7, $0x0;
	_ =	sdelay $0x1  }
0xa6: {  	v7 =	vor.u32 v6, v7;
	_ =	sdelay $0x1  }
0xa7: {  	v9 =	vmul.f32 v10, v5  }
.LBB2_12:
0xa8: {  	s6 =	sadd.s32 $0x8, s6  }
0xa9: {  	v10 =	vmov s6;
	p0 =	slt.u32 s6, $0x38;
	[tilespmem:v8+s25+$0x0] =	vst.idx.msk $0xffff, v9  }
0xaa: {  	v8 =	vshrl.u32 v10, $0x3;
	v9 =	vld.idx.msk [tilespmem:v7+s25+$0x0], $0xffff  }
0xab: {  	v8 =	vshll.u32 v8, v2  }
0xac: {  	v10 =	vbroadcast v8, $0x0;
	v11 =	vor.u32 $0x1, v8;
	v12 =	vor.u32 $0x2, v8  }
0xad: {  	v13 =	vor.u32 $0x3, v8;
	v11 =	vbroadcast v11, $0x0;
	v12 =	vbroadcast v12, $0x0  }
0xae: {  	v14 =	vor.u32 $0x4, v8;
	v13 =	vbroadcast v13, $0x0;
	v10 =	vor.u32 v6, v10  }
0xaf: {  	v15 =	vor.u32 $0x5, v8;
	v16 =	vor.u32 $0x6, v8;
	v14 =	vbroadcast v14, $0x0  }
0xb0: {  	v8 =	vor.u32 $0x7, v8;
	v15 =	vbroadcast v15, $0x0;
	v9 =	vmul.f32 v9, v5  }
0xb1: {  	v16 =	vbroadcast v16, $0x0;
	v17 =	vbroadcast v8, $0x0  }
0xb2: {  	[tilespmem:v7+s25+$0x0] =	vst.idx.msk $0xffff, v9  }
0xb3: {  	v7 =	vld.idx.msk [tilespmem:v10+s25+$0x0], $0xffff;
	_ =	sdelay $0x3  }
0xb4: {  	v8 =	vor.u32 v6, v11;
	_ =	sdelay $0x1  }
0xb5: {  	v7 =	vmul.f32 v7, v5;
	_ =	sdelay $0x1  }
0xb6: {  	[tilespmem:v10+s25+$0x0] =	vst.idx.msk $0xffff, v7  }
0xb7: {  	v7 =	vld.idx.msk [tilespmem:v8+s25+$0x0], $0xffff;
	_ =	sdelay $0x3  }
0xb8: {  	v9 =	vor.u32 v6, v12;
	_ =	sdelay $0x1  }
0xb9: {  	v7 =	vmul.f32 v7, v5;
	_ =	sdelay $0x1  }
0xba: {  	[tilespmem:v8+s25+$0x0] =	vst.idx.msk $0xffff, v7  }
0xbb: {  	v7 =	vld.idx.msk [tilespmem:v9+s25+$0x0], $0xffff;
	_ =	sdelay $0x3  }
0xbc: {  	v8 =	vor.u32 v6, v13;
	_ =	sdelay $0x1  }
0xbd: {  	v7 =	vmul.f32 v7, v5;
	_ =	sdelay $0x1  }
0xbe: {  	[tilespmem:v9+s25+$0x0] =	vst.idx.msk $0xffff, v7  }
0xbf: {  	v7 =	vld.idx.msk [tilespmem:v8+s25+$0x0], $0xffff;
	_ =	sdelay $0x3  }
0xc0: {  	v9 =	vor.u32 v6, v14;
	_ =	sdelay $0x1  }
0xc1: {  	v7 =	vmul.f32 v7, v5;
	_ =	sdelay $0x1  }
0xc2: {  	[tilespmem:v8+s25+$0x0] =	vst.idx.msk $0xffff, v7  }
0xc3: {  	v7 =	vld.idx.msk [tilespmem:v9+s25+$0x0], $0xffff;
	_ =	sdelay $0x3  }
0xc4: {  	v10 =	vor.u32 v6, v15;
	_ =	sdelay $0x1  }
0xc5: {  	v7 =	vmul.f32 v7, v5;
	_ =	sdelay $0x1  }
0xc6: {  	[tilespmem:v9+s25+$0x0] =	vst.idx.msk $0xffff, v7  }
0xc7: {  	v7 =	vld.idx.msk [tilespmem:v10+s25+$0x0], $0xffff;
	_ =	sdelay $0x3  }
0xc8: {  	v8 =	vor.u32 v6, v16;
	_ =	sdelay $0x1  }
0xc9: {  	v7 =	vmul.f32 v7, v5;
	_ =	sdelay $0x1  }
0xca: {  	[tilespmem:v10+s25+$0x0] =	vst.idx.msk $0xffff, v7  }
0xcb: {  	v9 =	vld.idx.msk [tilespmem:v8+s25+$0x0], $0xffff;
	_ =	sdelay $0x1  }
.Ltmp7:
0xcc: {  	(pc) =	sbr.rel @p0 .LBB2_12-.Ltmp7, $3  }
0xcd: {  	_ = 	snop  }
0xce: {  	v7 =	vor.u32 v6, v17;
	_ =	sdelay $0x1  }
0xcf: {  	v9 =	vmul.f32 v9, v5  }
0xd0: {  	_ =	sdelay $0x3  }
0xd1: {  	[tilespmem:v8+s25+$0x0] =	vst.idx.msk $0xffff, v9  }
0xd2: {  	v6 =	vld.idx.msk [tilespmem:v7+s25+$0x0], $0xffff  }
0xd3: {  	s5 =	sadd.s32 $0x1, s5  }
0xd4: {  	p0 =	sne.s32 s5, $0x5  }
.Ltmp8:
0xd5: {  	_ = 	snop;
	(pc) =	sbr.rel @p0 .LBB2_11-.Ltmp8, $3  }
0xd6: {  	_ = 	snop  }
0xd7: {  	v5 =	vmul.f32 v6, v5;
	_ =	sdelay $0x1  }
0xd8: {  	[tilespmem:v7+s25+$0x0] =	vst.idx.msk $0xffff, v5  }
0xd9: {  	p0 =	sgt.u32 s23, $0x7C  }
.Ltmp9:
0xda: {  	_ = 	snop;
	(pc) =	sbr.rel @p0 .LBB2_20-.Ltmp9, $2  }
0xdb: {  	_ =	sdelay $0x2  }
0xdc: {  	[spmem:s3] =	stream.indirect.scatter.add.f32 [tilespmem:s25], [sflag:$0x3], $0x40, s0, s24, $0xb8;
	[tilespmem:$0x1CDE0] =	vst v63  }
0xdd: {  	_ =	swait.ge [sflag:s30], $0x1400  }
0xde: {  	[sflag:s30] =	ssyncset.done $0x0  }
0xdf: {  	[sflag:s30] =	ssyncadd.s32 $0xFFFFEC00  }
0xe0: {  	s8 =	smul.u32 $0x50, s23;
	_ =	swait.ge [sflag:s31], $0x1400  }
0xe1: {  	[sflag:s31] =	ssyncset.done $0x0  }
0xe2: {  	s0 =	sadd.s32 $0xA0, s2;
	s5 =	sadd.s32 $0x2710, s8;
	[sflag:s31] =	ssyncadd.s32 $0xFFFFEC00  }
0xe3: {  	[tilespmem:s25], [sflag:$0x1] =	stream.indirect.gather [hbm4b:s1+s24], $0x40, s0, s24, $0xb8;
	[tilespmem:$0x1CDE0] =	vst v63  }
0xe4: {  	v4 =	vmov s8;
	v3 =	vmov s5;
	s0 =	simm.s32 $0x0  }
.LBB2_16:
0xe5: {  	_ =	sdelay $0x2  }
0xe6: {  	s5 =	sshll.u32 s0, $0x4  }
0xe7: {  	v5 =	vld.idx.msk [tilespmem:v3+s5+$0x0 ss:$0x1], $0xffff;
	_ =	sdelay $0x7  }
0xe8: {  	v5 =	vld.idx.msk [tilespmem:v5+s18+$0x0], $0xffff;
	_ =	sdelay $0x4  }
0xe9: {  	(erf) = vrcp.f32 v5;
	_ =	sdelay $0x1  }
0xea: {  	s2 =	simm.s32 $0x0  }
0xeb: {  	v5 =	vmov s2  }
0xec: {  	v5 =	vshrl.u32 v5, $0x3  }
0xed: {  	v6 =	vmov s5;
	v7 =	vld.idx.msk [tilespmem:v4+s5+$0x4E20 ss:$0x1], $0xffff;
	v9 =	vshll.u32 v5, v2  }
0xee: {  	v5 =	vshll.u32 v6, $0x6;
	v8 =	vbroadcast v9, $0x0  }
0xef: {  	v6 =	vor.u32 v1, v5  }
0xf0: {  	v8 =	vor.u32 v6, v8  }
0xf1: {  	v5 =	vpop (erf)  }
0xf2: {  	v5 =	vmul.f32 v5, v7;
	_ =	sdelay $0x1  }
0xf3: {  	[tilespmem:v4+s5+$0x7530 ss:$0x1] =	vst.idx.msk $0xffff, v5  }
0xf4: {  	v7 =	vor.u32 $0x1, v9;
	v10 =	vld.idx.msk [tilespmem:v8+s29+$0x0], $0xffff  }
0xf5: {  	v7 =	vbroadcast v7, $0x0;
	_ =	sdelay $0x1  }
0xf6: {  	v7 =	vor.u32 v6, v7;
	_ =	sdelay $0x1  }
0xf7: {  	v10 =	vmul.f32 v10, v5;
	_ =	sdelay $0x1  }
0xf8: {  	[tilespmem:v8+s29+$0x0] =	vst.idx.msk $0xffff, v10  }
0xf9: {  	v8 =	vor.u32 $0x2, v9;
	v10 =	vld.idx.msk [tilespmem:v7+s29+$0x0], $0xffff  }
0xfa: {  	v8 =	vbroadcast v8, $0x0;
	_ =	sdelay $0x1  }
0xfb: {  	v8 =	vor.u32 v6, v8;
	_ =	sdelay $0x1  }
0xfc: {  	v10 =	vmul.f32 v10, v5;
	_ =	sdelay $0x1  }
0xfd: {  	[tilespmem:v7+s29+$0x0] =	vst.idx.msk $0xffff, v10  }
0xfe: {  	v7 =	vor.u32 $0x3, v9;
	v10 =	vld.idx.msk [tilespmem:v8+s29+$0x0], $0xffff  }
0xff: {  	v7 =	vbroadcast v7, $0x0;
	_ =	sdelay $0x1  }
0x100: {  	v7 =	vor.u32 v6, v7;
	_ =	sdelay $0x1  }
0x101: {  	v10 =	vmul.f32 v10, v5;
	_ =	sdelay $0x1  }
0x102: {  	[tilespmem:v8+s29+$0x0] =	vst.idx.msk $0xffff, v10  }
0x103: {  	v8 =	vor.u32 $0x4, v9;
	v10 =	vld.idx.msk [tilespmem:v7+s29+$0x0], $0xffff  }
0x104: {  	v8 =	vbroadcast v8, $0x0;
	_ =	sdelay $0x1  }
0x105: {  	v8 =	vor.u32 v6, v8;
	_ =	sdelay $0x1  }
0x106: {  	v10 =	vmul.f32 v10, v5;
	_ =	sdelay $0x1  }
0x107: {  	[tilespmem:v7+s29+$0x0] =	vst.idx.msk $0xffff, v10  }
0x108: {  	v7 =	vor.u32 $0x5, v9;
	v10 =	vld.idx.msk [tilespmem:v8+s29+$0x0], $0xffff  }
0x109: {  	v7 =	vbroadcast v7, $0x0;
	_ =	sdelay $0x1  }
0x10a: {  	v7 =	vor.u32 v6, v7;
	_ =	sdelay $0x1  }
0x10b: {  	v10 =	vmul.f32 v10, v5;
	_ =	sdelay $0x1  }
0x10c: {  	[tilespmem:v8+s29+$0x0] =	vst.idx.msk $0xffff, v10  }
0x10d: {  	v8 =	vor.u32 $0x6, v9;
	v10 =	vld.idx.msk [tilespmem:v7+s29+$0x0], $0xffff  }
0x10e: {  	v8 =	vbroadcast v8, $0x0;
	_ =	sdelay $0x1  }
0x10f: {  	v8 =	vor.u32 v6, v8;
	_ =	sdelay $0x1  }
0x110: {  	v10 =	vmul.f32 v10, v5;
	_ =	sdelay $0x1  }
0x111: {  	[tilespmem:v7+s29+$0x0] =	vst.idx.msk $0xffff, v10  }
0x112: {  	v7 =	vor.u32 $0x7, v9;
	v10 =	vld.idx.msk [tilespmem:v8+s29+$0x0], $0xffff  }
0x113: {  	v7 =	vbroadcast v7, $0x0;
	_ =	sdelay $0x1  }
0x114: {  	v7 =	vor.u32 v6, v7;
	_ =	sdelay $0x1  }
0x115: {  	v9 =	vmul.f32 v10, v5  }
.LBB2_17:
0x116: {  	s2 =	sadd.s32 $0x8, s2  }
0x117: {  	v10 =	vmov s2;
	p0 =	slt.u32 s2, $0x38;
	[tilespmem:v8+s29+$0x0] =	vst.idx.msk $0xffff, v9  }
0x118: {  	v8 =	vshrl.u32 v10, $0x3;
	v9 =	vld.idx.msk [tilespmem:v7+s29+$0x0], $0xffff  }
0x119: {  	v8 =	vshll.u32 v8, v2  }
0x11a: {  	v10 =	vbroadcast v8, $0x0;
	v11 =	vor.u32 $0x1, v8;
	v12 =	vor.u32 $0x2, v8  }
0x11b: {  	v13 =	vor.u32 $0x3, v8;
	v11 =	vbroadcast v11, $0x0;
	v12 =	vbroadcast v12, $0x0  }
0x11c: {  	v14 =	vor.u32 $0x4, v8;
	v13 =	vbroadcast v13, $0x0;
	v10 =	vor.u32 v6, v10  }
0x11d: {  	v15 =	vor.u32 $0x5, v8;
	v16 =	vor.u32 $0x6, v8;
	v14 =	vbroadcast v14, $0x0  }
0x11e: {  	v8 =	vor.u32 $0x7, v8;
	v15 =	vbroadcast v15, $0x0;
	v9 =	vmul.f32 v9, v5  }
0x11f: {  	v16 =	vbroadcast v16, $0x0;
	v17 =	vbroadcast v8, $0x0  }
0x120: {  	[tilespmem:v7+s29+$0x0] =	vst.idx.msk $0xffff, v9  }
0x121: {  	v7 =	vld.idx.msk [tilespmem:v10+s29+$0x0], $0xffff;
	_ =	sdelay $0x3  }
0x122: {  	v8 =	vor.u32 v6, v11;
	_ =	sdelay $0x1  }
0x123: {  	v7 =	vmul.f32 v7, v5;
	_ =	sdelay $0x1  }
0x124: {  	[tilespmem:v10+s29+$0x0] =	vst.idx.msk $0xffff, v7  }
0x125: {  	v7 =	vld.idx.msk [tilespmem:v8+s29+$0x0], $0xffff;
	_ =	sdelay $0x3  }
0x126: {  	v9 =	vor.u32 v6, v12;
	_ =	sdelay $0x1  }
0x127: {  	v7 =	vmul.f32 v7, v5;
	_ =	sdelay $0x1  }
0x128: {  	[tilespmem:v8+s29+$0x0] =	vst.idx.msk $0xffff, v7  }
0x129: {  	v7 =	vld.idx.msk [tilespmem:v9+s29+$0x0], $0xffff;
	_ =	sdelay $0x3  }
0x12a: {  	v8 =	vor.u32 v6, v13;
	_ =	sdelay $0x1  }
0x12b: {  	v7 =	vmul.f32 v7, v5;
	_ =	sdelay $0x1  }
0x12c: {  	[tilespmem:v9+s29+$0x0] =	vst.idx.msk $0xffff, v7  }
0x12d: {  	v7 =	vld.idx.msk [tilespmem:v8+s29+$0x0], $0xffff;
	_ =	sdelay $0x3  }
0x12e: {  	v9 =	vor.u32 v6, v14;
	_ =	sdelay $0x1  }
0x12f: {  	v7 =	vmul.f32 v7, v5;
	_ =	sdelay $0x1  }
0x130: {  	[tilespmem:v8+s29+$0x0] =	vst.idx.msk $0xffff, v7  }
0x131: {  	v7 =	vld.idx.msk [tilespmem:v9+s29+$0x0], $0xffff;
	_ =	sdelay $0x3  }
0x132: {  	v10 =	vor.u32 v6, v15;
	_ =	sdelay $0x1  }
0x133: {  	v7 =	vmul.f32 v7, v5;
	_ =	sdelay $0x1  }
0x134: {  	[tilespmem:v9+s29+$0x0] =	vst.idx.msk $0xffff, v7  }
0x135: {  	v7 =	vld.idx.msk [tilespmem:v10+s29+$0x0], $0xffff;
	_ =	sdelay $0x3  }
0x136: {  	v8 =	vor.u32 v6, v16;
	_ =	sdelay $0x1  }
0x137: {  	v7 =	vmul.f32 v7, v5;
	_ =	sdelay $0x1  }
0x138: {  	[tilespmem:v10+s29+$0x0] =	vst.idx.msk $0xffff, v7  }
0x139: {  	v9 =	vld.idx.msk [tilespmem:v8+s29+$0x0], $0xffff;
	_ =	sdelay $0x1  }
.Ltmp10:
0x13a: {  	(pc) =	sbr.rel @p0 .LBB2_17-.Ltmp10, $3  }
0x13b: {  	_ = 	snop  }
0x13c: {  	v7 =	vor.u32 v6, v17;
	_ =	sdelay $0x1  }
0x13d: {  	v9 =	vmul.f32 v9, v5  }
0x13e: {  	_ =	sdelay $0x3  }
0x13f: {  	[tilespmem:v8+s29+$0x0] =	vst.idx.msk $0xffff, v9  }
0x140: {  	v6 =	vld.idx.msk [tilespmem:v7+s29+$0x0], $0xffff  }
0x141: {  	s0 =	sadd.s32 $0x1, s0  }
0x142: {  	p0 =	sne.s32 s0, $0x5  }
.Ltmp11:
0x143: {  	_ = 	snop;
	(pc) =	sbr.rel @p0 .LBB2_16-.Ltmp11, $3  }
0x144: {  	_ = 	snop  }
0x145: {  	v5 =	vmul.f32 v6, v5;
	_ =	sdelay $0x1  }
0x146: {  	[tilespmem:v7+s29+$0x0] =	vst.idx.msk $0xffff, v5  }
0x147: {  	s0 =	smul.u32 $0x140, s23  }
.Ltmp12:
0x148: {  	_ = 	snop;
	(pc) =	sbr.rel .LBB2_20-.Ltmp12, $4  }
0x149: {  	_ = 	snop  }
0x14a: {  	s0 =	sshra.s32 s0, $0x2  }
0x14b: {  	s0 =	sadd.s32 $0x2710, s0  }
0x14c: {  	[spmem:s3] =	stream.indirect.scatter.add.f32 [tilespmem:s29], [sflag:$0x4], $0x40, s0, s24, $0xb8;
	[tilespmem:$0x1CDE0] =	vst v63  }
.LBB2_8:
0x14d: {  	p0 =	sgt.u32 s23, $0x7C  }
.Ltmp13:
0x14e: {  	_ = 	snop;
	(pc) =	sbr.rel @p0 .LBB2_10-.Ltmp13, $4  }
.Ltmp14:
0x14f: {  	_ = 	snop;
	(pc) =	sbr.rel @!p0 .LBB2_9-.Ltmp14, $4  }
0x150: {  	_ = 	snop  }
0x151: {  	_ = 	snop  }
0x152: {  	_ = 	snop  }
0x153: {  	_ = 	snop  }
.LBB2_22:
0x154: {  	_ =	sfence.sel $0x180000  }
0x155: {  	[bflag:$0x0] =	sbarrier.arrive $0xFFFF  }
0x156: {  	_ =	strace $0x9000004A  }
0x157: {  	s0 =	stileid.u32;
	[bflag:$0x2] =	sbarrier.arrive $0xFFFF  }
0x158: {  	p0 =	sne.s32 s0, $0x0;
	s0 =	rddreg [dreg:$0x4]  }
0x159: {  	s0 =	sadd.s32 @!p0 $0x100000, s0  }
0x15a: {  	[sflag:s0] =	ssyncadd.tile.s32 @!p0 $0x1;
	_ =	shalt  }
.Lfunc_end2:
_tile_overlayer_lowered:
.L_overlay_start_2:
0x15b: {  	(tag) =	ssettag $0x2  }
0x15c: {  	s0 =	rddreg [dreg:$0x0];
	s2 =	stileid.u32  }
0x15d: {  	s1 =	rddreg [dreg:$0x1];
	p0 =	sne.s32 s2, $0x0  }
0x15e: {  	s3 =	rddreg [dreg:$0x2];
	[bflag:$0x3] =	sbarrier.arrive $0xFFFF;
	s2 =	simm.s32 @!p0 $0x1C05  }
0x15f: {  	[timem:s3], [sflag:s2] =	dma.local @!p0 [hbm:s0], s1  }
0x160: {  	s0 =	simm.s32 @!p0 $0x5  }
0x161: {  	_ =	swait.ge @!p0 [sflag:s0], s1  }
0x162: {  	s1 =	ssub.s32 @!p0 $0x0, s1;
	[sflag:s0] =	ssyncset.done @!p0 $0x0  }
0x163: {  	[sflag:s0] =	ssyncadd.s32 @!p0 s1  }
0x164: {  	[bflag:$0x3] =	sbarrier.arrive $0xFFFF  }
0x165: {  	_ =	shalt  }

</sc_bundles>
